<compile_context>
chip_gen: v7x
topology: tpu7x:2x2x1
jax: 0.10.2.dev20260603
libtpu: 0.0.44.dev20260713+nightly
codegen_flags: <defaults>
</compile_context>

<pallas_src>
import jax
import jax.numpy as jnp
from jax import lax
from jax.experimental import pallas as pl
from jax.experimental.pallas import tpu as pltpu
from jax.experimental.pallas import tpu_sc as plsc

N = 10000
E = 320000
D = 128
NC = 2
NS = 16
L = 16
NW = NC * NS
EPT = 10368
EPAD = EPT * NW
CA = 96
CPTA = EPT // CA
CB = 96
CPTB = EPT // CB
UNROLL = 4
NP = 10112
RPT = NP // NS
ND8 = 1280
DPT = ND8 // NS
KD = D // L


def _stage1_body(x_ref, w1_ref, ats_ref, atd_ref, h_ref, as_ref, ad_ref, m_ref):
    h = jnp.dot(x_ref[...], w1_ref[...], preferred_element_type=jnp.float32)
    h_ref[...] = h
    a_s = jnp.sum(h * ats_ref[...], axis=1, keepdims=True)
    a_d = jnp.sum(h * atd_ref[...], axis=1, keepdims=True)
    as_ref[...] = a_s
    ad_ref[...] = a_d
    m = jnp.max(a_s) + jnp.max(a_d)
    m = jnp.where(m >= 0.0, m, 0.2 * m)
    m_ref[...] = jnp.full((8, 128), m, jnp.float32)


def _stage1(x, w1, ats, atd):
    return pl.pallas_call(
        _stage1_body,
        out_shape=(
            jax.ShapeDtypeStruct((N, D), jnp.float32),
            jax.ShapeDtypeStruct((N, 1), jnp.float32),
            jax.ShapeDtypeStruct((N, 1), jnp.float32),
            jax.ShapeDtypeStruct((8, 128), jnp.float32),
        ),
    )(x, w1, ats, atd)


def _logit_body(gsrc, gdst, asrc, adst, m16, zr, w_out, outd,
                asrc_v, adst_v, m_v, src_c, dst_c, rowi_c, coli_c, w_t,
                den_st, acc_d):
    c = lax.axis_index("c")
    s = lax.axis_index("s")
    wid = c * NS + s

    pltpu.sync_copy(asrc, asrc_v)
    pltpu.sync_copy(adst, adst_v)
    pltpu.sync_copy(m16, m_v)

    dbase = s * DPT
    pltpu.sync_copy(zr.at[pl.ds(0, DPT)], acc_d.at[pl.ds(dbase, DPT)])
    pltpu.sync_copy(zr.at[pl.ds(0, CA)], den_st)

    m = m_v[pl.ds(0, L)]
    iota = lax.iota(jnp.int32, L)
    zv = jnp.zeros((L,), jnp.float32)
    ebase = wid * EPT

    plsc.subcore_barrier()

    def _chunk(j, carry):
        cbase = ebase + j * CA
        pltpu.sync_copy(gsrc.at[pl.ds(cbase, CA)], src_c)
        pltpu.sync_copy(gdst.at[pl.ds(cbase, CA)], dst_c)

        for k in range(CA // L):
            sv = src_c[pl.ds(k * L, L)]
            dv = dst_c[pl.ds(k * L, L)]
            a = plsc.load_gather(asrc_v, [sv])
            b = plsc.load_gather(adst_v, [dv])
            e = a + b
            e = jnp.where(e >= 0.0, e, 0.2 * e)
            w = jnp.exp(e - m)
            gid = cbase + k * L + iota
            w = jnp.where(gid < E, w, 0.0)
            w_t[pl.ds(j * CA + k * L, L)] = w
            rowi_c[pl.ds(k * L, L)] = lax.shift_right_logical(dv, 3)
            colv = lax.shift_left(jnp.bitwise_and(dv, 7), 4)
            coli_c[pl.ds(k * L, L)] = colv
            plsc.store_scatter(den_st, [iota + k * L, colv], w)

        pltpu.sync_copy(den_st, acc_d.at[rowi_c], add=True)

        for k in range(CA // L):
            cv = coli_c[pl.ds(k * L, L)]
            plsc.store_scatter(den_st, [iota + k * L, cv], zv)
        return carry

    lax.fori_loop(0, CPTA, _chunk, 0)

    pltpu.sync_copy(w_t, w_out.at[pl.ds(ebase, EPT)])
    plsc.subcore_barrier()
    pltpu.sync_copy(acc_d.at[pl.ds(dbase, DPT)], outd.at[c, pl.ds(dbase, DPT)])


def _kernel_a(gsrc, gdst, asrc, adst, m16, zr):
    mesh = plsc.VectorSubcoreMesh(core_axis_name="c", subcore_axis_name="s")
    fn = pl.kernel(
        _logit_body,
        out_type=(
            pltpu.HBM((EPAD,), jnp.float32),
            pltpu.HBM((NC, ND8, D), jnp.float32),
        ),
        mesh=mesh,
        compiler_params=pltpu.CompilerParams(needs_layout_passes=False),
        scratch_types=[
            pltpu.VMEM((N,), jnp.float32),
            pltpu.VMEM((N,), jnp.float32),
            pltpu.VMEM((L,), jnp.float32),
            pltpu.VMEM((CA,), jnp.int32),
            pltpu.VMEM((CA,), jnp.int32),
            pltpu.VMEM((CA,), jnp.int32),
            pltpu.VMEM((CA,), jnp.int32),
            pltpu.VMEM((EPT,), jnp.float32),
            pltpu.VMEM((CA, D), jnp.float32),
            pltpu.VMEM_SHARED((ND8, D), jnp.float32),
        ],
    )
    return fn(gsrc, gdst, asrc, adst, m16, zr)


def _agg_body(gsrc, gdst, h, w_all, zr, outp,
              src0, src1, dst0, dst1, w0, w1, rows0, rows1, acc_p,
              gs0, gs1, ss0, ss1):
    c = lax.axis_index("c")
    s = lax.axis_index("s")
    wid = c * NS + s

    rbase = s * RPT
    pltpu.sync_copy(zr.at[pl.ds(0, RPT)], acc_p.at[pl.ds(rbase, RPT)])

    zi = jnp.zeros((L,), jnp.int32)
    ebase = wid * EPT

    plsc.subcore_barrier()

    def _process(j, src_c, dst_c, w_c, rows_v, gsem, ssem):
        cbase = ebase + j * CB
        pltpu.sync_copy(gdst.at[pl.ds(cbase, CB)], dst_c)
        pltpu.sync_copy(w_all.at[pl.ds(cbase, CB)], w_c)
        pltpu.make_async_copy(h.at[src_c], rows_v, gsem).wait()

        def _weight(e, inner):
            for u in range(UNROLL):
                eu = e * UNROLL + u
                ws = plsc.load_gather(w_c, [zi + eu])
                for k in range(KD):
                    rows_v[eu, pl.ds(k * L, L)] = (
                        rows_v[eu, pl.ds(k * L, L)] * ws
                    )
            return inner

        lax.fori_loop(0, CB // UNROLL, _weight, 0)
        pltpu.async_copy(rows_v, acc_p.at[dst_c], ssem, add=True)

    def _start(j, src_c, rows_v, gsem):
        pltpu.sync_copy(gsrc.at[pl.ds(ebase + j * CB, CB)], src_c)
        pltpu.async_copy(h.at[src_c], rows_v, gsem)

    def _swait(rows_v, dst_c, ssem):
        pltpu.make_async_copy(rows_v, acc_p.at[dst_c], ssem).wait()

    _start(0, src0, rows0, gs0)
    _start(1, src1, rows1, gs1)

    def _pair(i, carry):
        _process(2 * i, src0, dst0, w0, rows0, gs0, ss0)
        _process(2 * i + 1, src1, dst1, w1, rows1, gs1, ss1)

        @pl.when(i < CPTB // 2 - 1)
        def _():
            _swait(rows0, dst0, ss0)
            _start(2 * i + 2, src0, rows0, gs0)
            _swait(rows1, dst1, ss1)
            _start(2 * i + 3, src1, rows1, gs1)

        return carry

    lax.fori_loop(0, CPTB // 2, _pair, 0)
    _swait(rows0, dst0, ss0)
    _swait(rows1, dst1, ss1)

    plsc.subcore_barrier()
    pltpu.sync_copy(acc_p.at[pl.ds(rbase, RPT)], outp.at[c, pl.ds(rbase, RPT)])


def _kernel_b(gsrc, gdst, h, w_all, zr):
    mesh = plsc.VectorSubcoreMesh(core_axis_name="c", subcore_axis_name="s")
    fn = pl.kernel(
        _agg_body,
        out_type=pltpu.HBM((NC, NP, D), jnp.float32),
        mesh=mesh,
        compiler_params=pltpu.CompilerParams(needs_layout_passes=False),
        scratch_types=[
            pltpu.VMEM((CB,), jnp.int32),
            pltpu.VMEM((CB,), jnp.int32),
            pltpu.VMEM((CB,), jnp.int32),
            pltpu.VMEM((CB,), jnp.int32),
            pltpu.VMEM((CB,), jnp.float32),
            pltpu.VMEM((CB,), jnp.float32),
            pltpu.VMEM((CB, D), jnp.float32),
            pltpu.VMEM((CB, D), jnp.float32),
            pltpu.VMEM_SHARED((NP, D), jnp.float32),
            pltpu.SemaphoreType.DMA,
            pltpu.SemaphoreType.DMA,
            pltpu.SemaphoreType.DMA,
            pltpu.SemaphoreType.DMA,
        ],
    )
    return fn(gsrc, gdst, h, w_all, zr)


def _stage4_body(p_ref, den_ref, w2_ref, o_ref):
    x = (p_ref[0, :N] + p_ref[1, :N]) / (den_ref[:N] + 1e-16)
    x = jnp.where(x > 0.0, x, jnp.exp(x) - 1.0)
    o_ref[...] = jnp.dot(x, w2_ref[...], preferred_element_type=jnp.float32)


def _stage4(outp, den, w2):
    return pl.pallas_call(
        _stage4_body,
        out_shape=jax.ShapeDtypeStruct((N, D), jnp.float32),
    )(outp, den, w2)


@jax.jit
def kernel(g, features, W1, att_src, att_dst, W2):
    h, a_s, a_d, m8 = _stage1(
        features, W1, att_src.reshape(1, D), att_dst.reshape(1, D)
    )
    asrc = a_s.reshape(N)
    adst = a_d.reshape(N)
    m16 = m8[0, :L]

    gp = jnp.concatenate(
        [g.astype(jnp.int32), jnp.zeros((2, EPAD - E), jnp.int32)], axis=1
    )
    zr = jnp.zeros((RPT, D), jnp.float32)

    w_all, outd = _kernel_a(gp[0], gp[1], asrc, adst, m16, zr)
    outp = _kernel_b(gp[0], gp[1], h, w_all, zr)

    den = (outd[0, :, ::16] + outd[1, :, ::16]).reshape(ND8 * 8, 1)

    return _stage4(outp, den, W2)

# --- scband reference (transcript-rebuilt; emitter-appended) ---
"""Pipeline reference for scband-gat-30932354465910 (READ-ONLY COPY).

The authoritative reference and input builder live on the scoring server;
editing this copy changes nothing except your own understanding.
"""

import jax, jax.numpy as jnp
import numpy as np

N = 10000
E = 320000
IN_DIM = 128
HID = 128
OUT = 128


def _gat_conv(x, edge_index, W, att_s, att_d, num_nodes):
    # PyG-style GATConv, heads=1, concat=False, no bias, no self-loops
    h = x @ W  # [N, C]
    src = edge_index[0]
    dst = edge_index[1]
    a_src = (h * att_s).sum(axis=-1)  # [N]
    a_dst = (h * att_d).sum(axis=-1)  # [N]
    e = a_src[src] + a_dst[dst]  # [E]
    e = jax.nn.leaky_relu(e, negative_slope=0.2)
    # softmax over edges grouped by destination node
    e_max = jax.ops.segment_max(e, dst, num_segments=num_nodes)
    e_max = jnp.where(jnp.isfinite(e_max), e_max, 0.0)
    e_exp = jnp.exp(e - e_max[dst])
    denom = jax.ops.segment_sum(e_exp, dst, num_segments=num_nodes)
    alpha = e_exp / (denom[dst] + 1e-16)  # [E]
    out = jax.ops.segment_sum(h[src] * alpha[:, None], dst, num_segments=num_nodes)
    return out


def setup_inputs(seed: int = 0):
    key = jax.random.key(seed)
    k1, k2, k3, k4, k5, k6 = jax.random.split(key, 6)
    g = jax.random.randint(k1, (2, E), 0, N, dtype=jnp.int32)
    features = jax.random.normal(k2, (N, IN_DIM), dtype=jnp.float32)
    W1 = jax.random.normal(k3, (IN_DIM, HID), dtype=jnp.float32) * (1.0 / np.sqrt(IN_DIM))
    att_src = jax.random.normal(k4, (HID,), dtype=jnp.float32) * 0.1
    att_dst = jax.random.normal(k5, (HID,), dtype=jnp.float32) * 0.1
    W2 = jax.random.normal(k6, (HID, OUT), dtype=jnp.float32) * (1.0 / np.sqrt(HID))
    return {"g": g, "features": features, "W1": W1, "att_src": att_src, "att_dst": att_dst, "W2": W2}


def reference(g, features, W1, att_src, att_dst, W2):
    # conv1: full GAT attention layer, then ELU
    h1 = jax.nn.elu(_gat_conv(features, g, W1, att_src, att_dst, N))
    # conv2 is called with attention=False -> linear projection only (STAGATE-style GATConv)
    h2 = h1 @ W2
    return h2

if __name__ == "__main__":
    import jax
    _d = setup_inputs()
    print(jax.jit(kernel)(*tuple(_d.values())))

</pallas_src>

<mosaic_0001>
#map = affine_map<(d0, d1) -> (0)>
#map1 = affine_map<(d0, d1) -> (0, 0)>
#map2 = affine_map<(d0, d1) -> (0, 0, 0)>
module attributes {stable_mosaic.version = 14 : i64} {
  func.func @_agg_body(%arg0: i32, %arg1: i32, %arg2: memref<331776xi32, #tpu.memory_space<hbm>>, %arg3: memref<331776xi32, #tpu.memory_space<hbm>>, %arg4: memref<10000x128xf32, #tpu.memory_space<hbm>>, %arg5: memref<331776xf32, #tpu.memory_space<hbm>>, %arg6: memref<632x128xf32, #tpu.memory_space<hbm>>, %arg7: memref<2x10112x128xf32, #tpu.memory_space<hbm>>, %arg8: memref<96xi32, #tpu.memory_space<vmem>>, %arg9: memref<96xi32, #tpu.memory_space<vmem>>, %arg10: memref<96xi32, #tpu.memory_space<vmem>>, %arg11: memref<96xi32, #tpu.memory_space<vmem>>, %arg12: memref<96xf32, #tpu.memory_space<vmem>>, %arg13: memref<96xf32, #tpu.memory_space<vmem>>, %arg14: memref<96x128xf32, #tpu.memory_space<vmem>>, %arg15: memref<96x128xf32, #tpu.memory_space<vmem>>, %arg16: memref<10112x128xf32, #tpu.memory_space<vmem_shared>>, %arg17: memref<!tpu.dma_semaphore, #tpu.memory_space<semaphore_mem>>, %arg18: memref<!tpu.dma_semaphore, #tpu.memory_space<semaphore_mem>>, %arg19: memref<!tpu.dma_semaphore, #tpu.memory_space<semaphore_mem>>, %arg20: memref<!tpu.dma_semaphore, #tpu.memory_space<semaphore_mem>>) attributes {dimension_semantics = [#tpu.dimension_semantics<core_parallel>, #tpu.dimension_semantics<subcore_parallel>], iteration_bounds = array<i64: 2, 16>, scalar_prefetch = 0 : i64, scratch_operands = 13 : i64, tpu.core_type = #tpu.core_type<sc_vector_subcore>, window_params = [{transform_indices = #map}, {transform_indices = #map}, {transform_indices = #map1}, {transform_indices = #map}, {transform_indices = #map1}, {transform_indices = #map2}]} {
    %mul3A = arith.constant 16 : i32
    %mul3A_0 = arith.muli %arg0, %mul3A : i32
    %add3A = arith.addi %mul3A_0, %arg1 : i32
    %mul3A_1 = arith.constant 632 : i32
    %mul3A_2 = arith.muli %arg1, %mul3A_1 : i32
    "tpu.region"() ({
      %run_scoped3A = tpu.sem_alloc : memref<!tpu.dma_semaphore, #tpu.memory_space<semaphore_mem>>
      %dma_start3A_26 = arith.constant 0 : i32
      %dma_start3A_27 = tpu.memref_slice %arg16[%mul3A_2, %dma_start3A_26] : memref<10112x128xf32, #tpu.memory_space<vmem_shared>> -> memref<632x128xf32, #tpu.memory_space<vmem_shared>>
      %dma_start3A_28 = arith.constant 0 : i32
      %dma_start3A_29 = arith.constant 0 : i32
      %dma_start3A_30 = tpu.memref_slice %arg6[%dma_start3A_28, %dma_start3A_29] : memref<632x128xf32, #tpu.memory_space<hbm>> -> memref<632x128xf32, #tpu.memory_space<hbm>>
      tpu.enqueue_dma source(%dma_start3A_30 : memref<632x128xf32, #tpu.memory_space<hbm>>) target(%dma_start3A_27 : memref<632x128xf32, #tpu.memory_space<vmem_shared>>) target_semaphore(%run_scoped3A : memref<!tpu.dma_semaphore, #tpu.memory_space<semaphore_mem>>)
      %dma_wait3A_31 = arith.constant 0 : i32
      %dma_wait3A_32 = tpu.memref_slice %arg16[%mul3A_2, %dma_wait3A_31] : memref<10112x128xf32, #tpu.memory_space<vmem_shared>> -> memref<632x128xf32, #tpu.memory_space<vmem_shared>>
      %dma_wait3A_33 = arith.constant 0 : i32
      %dma_wait3A_34 = arith.constant 0 : i32
      %dma_wait3A_35 = tpu.memref_slice %arg6[%dma_wait3A_33, %dma_wait3A_34] : memref<632x128xf32, #tpu.memory_space<hbm>> -> memref<632x128xf32, #tpu.memory_space<hbm>>
      tpu.wait_dma2 semaphore(%run_scoped3A : memref<!tpu.dma_semaphore, #tpu.memory_space<semaphore_mem>>) src(%dma_wait3A_35 : memref<632x128xf32, #tpu.memory_space<hbm>>) dst(%dma_wait3A_32 : memref<632x128xf32, #tpu.memory_space<vmem_shared>>)
      tpu.yield
    }) : () -> ()
    %broadcast_in_dim3A = arith.constant 0 : i32
    %broadcast_in_dim3A_3 = vector.broadcast %broadcast_in_dim3A : i32 to vector<16xi32>
    %mul3A_4 = arith.constant 10368 : i32
    %mul3A_5 = arith.muli %add3A, %mul3A_4 : i32
    %barrier3A = arith.constant 0 : index
    tpu.barrier barrier_id(%barrier3A)
    %add3A_6 = arith.constant 0 : i32
    %add3A_7 = arith.addi %mul3A_5, %add3A_6 : i32
    "tpu.region"() ({
      %run_scoped3A = tpu.sem_alloc : memref<!tpu.dma_semaphore, #tpu.memory_space<semaphore_mem>>
      %dma_start3A_26 = tpu.memref_slice %arg2[%add3A_7] : memref<331776xi32, #tpu.memory_space<hbm>> -> memref<96xi32, #tpu.memory_space<hbm>>
      %dma_start3A_27 = tpu.memref_slice %arg2[%add3A_7] : memref<331776xi32, #tpu.memory_space<hbm>> -> memref<96xi32, #tpu.memory_space<hbm>>
      tpu.enqueue_dma source(%dma_start3A_27 : memref<96xi32, #tpu.memory_space<hbm>>) target(%arg8 : memref<96xi32, #tpu.memory_space<vmem>>) target_semaphore(%run_scoped3A : memref<!tpu.dma_semaphore, #tpu.memory_space<semaphore_mem>>)
      %dma_wait3A_28 = tpu.memref_slice %arg2[%add3A_7] : memref<331776xi32, #tpu.memory_space<hbm>> -> memref<96xi32, #tpu.memory_space<hbm>>
      %dma_wait3A_29 = tpu.memref_slice %arg2[%add3A_7] : memref<331776xi32, #tpu.memory_space<hbm>> -> memref<96xi32, #tpu.memory_space<hbm>>
      tpu.wait_dma2 semaphore(%run_scoped3A : memref<!tpu.dma_semaphore, #tpu.memory_space<semaphore_mem>>) src(%dma_wait3A_29 : memref<96xi32, #tpu.memory_space<hbm>>) dst(%arg8 : memref<96xi32, #tpu.memory_space<vmem>>)
      tpu.yield
    }) : () -> ()
    %dma_start3A = arith.constant 0 : i32
    %dma_start3A_8 = arith.constant 0 : i32
    %dma_start3A_9 = tpu.memref_slice %arg4[%dma_start3A, %dma_start3A_8] : memref<10000x128xf32, #tpu.memory_space<hbm>> -> memref<10000x128xf32, #tpu.memory_space<hbm>>
    tpu.enqueue_indirect_dma source(%dma_start3A_9 : memref<10000x128xf32, #tpu.memory_space<hbm>>) target(%arg14 : memref<96x128xf32, #tpu.memory_space<vmem>>) offsets(%arg8 : memref<96xi32, #tpu.memory_space<vmem>>) semaphore(%arg17 : memref<!tpu.dma_semaphore, #tpu.memory_space<semaphore_mem>>)
    %add3A_10 = arith.constant 96 : i32
    %add3A_11 = arith.addi %mul3A_5, %add3A_10 : i32
    "tpu.region"() ({
      %run_scoped3A = tpu.sem_alloc : memref<!tpu.dma_semaphore, #tpu.memory_space<semaphore_mem>>
      %dma_start3A_26 = tpu.memref_slice %arg2[%add3A_11] : memref<331776xi32, #tpu.memory_space<hbm>> -> memref<96xi32, #tpu.memory_space<hbm>>
      %dma_start3A_27 = tpu.memref_slice %arg2[%add3A_11] : memref<331776xi32, #tpu.memory_space<hbm>> -> memref<96xi32, #tpu.memory_space<hbm>>
      tpu.enqueue_dma source(%dma_start3A_27 : memref<96xi32, #tpu.memory_space<hbm>>) target(%arg9 : memref<96xi32, #tpu.memory_space<vmem>>) target_semaphore(%run_scoped3A : memref<!tpu.dma_semaphore, #tpu.memory_space<semaphore_mem>>)
      %dma_wait3A_28 = tpu.memref_slice %arg2[%add3A_11] : memref<331776xi32, #tpu.memory_space<hbm>> -> memref<96xi32, #tpu.memory_space<hbm>>
      %dma_wait3A_29 = tpu.memref_slice %arg2[%add3A_11] : memref<331776xi32, #tpu.memory_space<hbm>> -> memref<96xi32, #tpu.memory_space<hbm>>
      tpu.wait_dma2 semaphore(%run_scoped3A : memref<!tpu.dma_semaphore, #tpu.memory_space<semaphore_mem>>) src(%dma_wait3A_29 : memref<96xi32, #tpu.memory_space<hbm>>) dst(%arg9 : memref<96xi32, #tpu.memory_space<vmem>>)
      tpu.yield
    }) : () -> ()
    %dma_start3A_12 = arith.constant 0 : i32
    %dma_start3A_13 = arith.constant 0 : i32
    %dma_start3A_14 = tpu.memref_slice %arg4[%dma_start3A_12, %dma_start3A_13] : memref<10000x128xf32, #tpu.memory_space<hbm>> -> memref<10000x128xf32, #tpu.memory_space<hbm>>
    tpu.enqueue_indirect_dma source(%dma_start3A_14 : memref<10000x128xf32, #tpu.memory_space<hbm>>) target(%arg15 : memref<96x128xf32, #tpu.memory_space<vmem>>) offsets(%arg9 : memref<96xi32, #tpu.memory_space<vmem>>) semaphore(%arg18 : memref<!tpu.dma_semaphore, #tpu.memory_space<semaphore_mem>>)
    %scan3A = arith.constant 0 : i32
    %scan3A_15 = arith.constant 0 : i32
    %scan3A_16 = arith.constant 54 : i32
    %scan3A_17 = arith.addi %scan3A_15, %scan3A_16 : i32
    %scan3A_18 = arith.constant 1 : i32
    scf.for %scan3A_26 = %scan3A_15 to %scan3A_17 step %scan3A_18  : i32 {
      %mul3A_27 = arith.constant 2 : i32
      %mul3A_28 = arith.muli %mul3A_27, %scan3A_26 : i32
      %mul3A_29 = arith.constant 96 : i32
      %mul3A_30 = arith.muli %mul3A_28, %mul3A_29 : i32
      %add3A_31 = arith.addi %mul3A_5, %mul3A_30 : i32
      "tpu.region"() ({
        %run_scoped3A = tpu.sem_alloc : memref<!tpu.dma_semaphore, #tpu.memory_space<semaphore_mem>>
        %dma_start3A_65 = tpu.memref_slice %arg3[%add3A_31] : memref<331776xi32, #tpu.memory_space<hbm>> -> memref<96xi32, #tpu.memory_space<hbm>>
        %dma_start3A_66 = tpu.memref_slice %arg3[%add3A_31] : memref<331776xi32, #tpu.memory_space<hbm>> -> memref<96xi32, #tpu.memory_space<hbm>>
        tpu.enqueue_dma source(%dma_start3A_66 : memref<96xi32, #tpu.memory_space<hbm>>) target(%arg10 : memref<96xi32, #tpu.memory_space<vmem>>) target_semaphore(%run_scoped3A : memref<!tpu.dma_semaphore, #tpu.memory_space<semaphore_mem>>)
        %dma_wait3A_67 = tpu.memref_slice %arg3[%add3A_31] : memref<331776xi32, #tpu.memory_space<hbm>> -> memref<96xi32, #tpu.memory_space<hbm>>
        %dma_wait3A_68 = tpu.memref_slice %arg3[%add3A_31] : memref<331776xi32, #tpu.memory_space<hbm>> -> memref<96xi32, #tpu.memory_space<hbm>>
        tpu.wait_dma2 semaphore(%run_scoped3A : memref<!tpu.dma_semaphore, #tpu.memory_space<semaphore_mem>>) src(%dma_wait3A_68 : memref<96xi32, #tpu.memory_space<hbm>>) dst(%arg10 : memref<96xi32, #tpu.memory_space<vmem>>)
        tpu.yield
      }) : () -> ()
      "tpu.region"() ({
        %run_scoped3A = tpu.sem_alloc : memref<!tpu.dma_semaphore, #tpu.memory_space<semaphore_mem>>
        %dma_start3A_65 = tpu.memref_slice %arg5[%add3A_31] : memref<331776xf32, #tpu.memory_space<hbm>> -> memref<96xf32, #tpu.memory_space<hbm>>
        %dma_start3A_66 = tpu.memref_slice %arg5[%add3A_31] : memref<331776xf32, #tpu.memory_space<hbm>> -> memref<96xf32, #tpu.memory_space<hbm>>
        tpu.enqueue_dma source(%dma_start3A_66 : memref<96xf32, #tpu.memory_space<hbm>>) target(%arg12 : memref<96xf32, #tpu.memory_space<vmem>>) target_semaphore(%run_scoped3A : memref<!tpu.dma_semaphore, #tpu.memory_space<semaphore_mem>>)
        %dma_wait3A_67 = tpu.memref_slice %arg5[%add3A_31] : memref<331776xf32, #tpu.memory_space<hbm>> -> memref<96xf32, #tpu.memory_space<hbm>>
        %dma_wait3A_68 = tpu.memref_slice %arg5[%add3A_31] : memref<331776xf32, #tpu.memory_space<hbm>> -> memref<96xf32, #tpu.memory_space<hbm>>
        tpu.wait_dma2 semaphore(%run_scoped3A : memref<!tpu.dma_semaphore, #tpu.memory_space<semaphore_mem>>) src(%dma_wait3A_68 : memref<96xf32, #tpu.memory_space<hbm>>) dst(%arg12 : memref<96xf32, #tpu.memory_space<vmem>>)
        tpu.yield
      }) : () -> ()
      %dma_wait3A_32 = arith.constant 0 : i32
      %dma_wait3A_33 = arith.constant 0 : i32
      %dma_wait3A_34 = tpu.memref_slice %arg4[%dma_wait3A_32, %dma_wait3A_33] : memref<10000x128xf32, #tpu.memory_space<hbm>> -> memref<10000x128xf32, #tpu.memory_space<hbm>>
      tpu.wait_indirect_dma semaphore(%arg17 : memref<!tpu.dma_semaphore, #tpu.memory_space<semaphore_mem>>) src(%dma_wait3A_34 : memref<10000x128xf32, #tpu.memory_space<hbm>>) dst(%arg14 : memref<96x128xf32, #tpu.memory_space<vmem>>)
      %scan3A_35 = arith.constant 0 : i32
      %scan3A_36 = arith.constant 0 : i32
      %scan3A_37 = arith.constant 24 : i32
      %scan3A_38 = arith.addi %scan3A_36, %scan3A_37 : i32
      %scan3A_39 = arith.constant 1 : i32
      scf.for %scan3A_65 = %scan3A_36 to %scan3A_38 step %scan3A_39  : i32 {
        %mul3A_66 = arith.constant 4 : i32
        %mul3A_67 = arith.muli %scan3A_65, %mul3A_66 : i32
        %add3A_68 = arith.constant 0 : i32
        %add3A_69 = arith.addi %mul3A_67, %add3A_68 : i32
        %add3A_70 = vector.broadcast %add3A_69 : i32 to vector<16xi32>
        %add3A_71 = arith.addi %broadcast_in_dim3A_3, %add3A_70 : vector<16xi32>
        %gather3A = tpu.vector_load_idx %arg12[%add3A_71] : memref<96xf32, #tpu.memory_space<vmem>>[vector<16xi32>], vector<16xf32>,
        %get3A = arith.index_cast %add3A_69 : i32 to index
        %get3A_72 = arith.constant 0 : index
        %get3A_73 = tpu.vector_load %arg14[%get3A, %get3A_72] {strides = array<i32>} : memref<96x128xf32, #tpu.memory_space<vmem>>, vector<16xf32>,
        %mul3A_74 = arith.mulf %get3A_73, %gather3A : vector<16xf32>
        %swap3A = arith.index_cast %add3A_69 : i32 to index
        %swap3A_75 = arith.constant 0 : index
        %swap3A_76 = tpu.vector_load %arg14[%swap3A, %swap3A_75] {strides = array<i32>} : memref<96x128xf32, #tpu.memory_space<vmem>>, vector<16xf32>,
        tpu.vector_store %arg14[%swap3A, %swap3A_75], %mul3A_74 {strides = array<i32>} : memref<96x128xf32, #tpu.memory_space<vmem>>, vector<16xf32>,
        %get3A_77 = arith.index_cast %add3A_69 : i32 to index
        %get3A_78 = arith.constant 16 : index
        %get3A_79 = tpu.vector_load %arg14[%get3A_77, %get3A_78] {strides = array<i32>} : memref<96x128xf32, #tpu.memory_space<vmem>>, vector<16xf32>,
        %mul3A_80 = arith.mulf %get3A_79, %gather3A : vector<16xf32>
        %swap3A_81 = arith.index_cast %add3A_69 : i32 to index
        %swap3A_82 = arith.constant 16 : index
        %swap3A_83 = tpu.vector_load %arg14[%swap3A_81, %swap3A_82] {strides = array<i32>} : memref<96x128xf32, #tpu.memory_space<vmem>>, vector<16xf32>,
        tpu.vector_store %arg14[%swap3A_81, %swap3A_82], %mul3A_80 {strides = array<i32>} : memref<96x128xf32, #tpu.memory_space<vmem>>, vector<16xf32>,
        %get3A_84 = arith.index_cast %add3A_69 : i32 to index
        %get3A_85 = arith.constant 32 : index
        %get3A_86 = tpu.vector_load %arg14[%get3A_84, %get3A_85] {strides = array<i32>} : memref<96x128xf32, #tpu.memory_space<vmem>>, vector<16xf32>,
        %mul3A_87 = arith.mulf %get3A_86, %gather3A : vector<16xf32>
        %swap3A_88 = arith.index_cast %add3A_69 : i32 to index
        %swap3A_89 = arith.constant 32 : index
        %swap3A_90 = tpu.vector_load %arg14[%swap3A_88, %swap3A_89] {strides = array<i32>} : memref<96x128xf32, #tpu.memory_space<vmem>>, vector<16xf32>,
        tpu.vector_store %arg14[%swap3A_88, %swap3A_89], %mul3A_87 {strides = array<i32>} : memref<96x128xf32, #tpu.memory_space<vmem>>, vector<16xf32>,
        %get3A_91 = arith.index_cast %add3A_69 : i32 to index
        %get3A_92 = arith.constant 48 : index
        %get3A_93 = tpu.vector_load %arg14[%get3A_91, %get3A_92] {strides = array<i32>} : memref<96x128xf32, #tpu.memory_space<vmem>>, vector<16xf32>,
        %mul3A_94 = arith.mulf %get3A_93, %gather3A : vector<16xf32>
        %swap3A_95 = arith.index_cast %add3A_69 : i32 to index
        %swap3A_96 = arith.constant 48 : index
        %swap3A_97 = tpu.vector_load %arg14[%swap3A_95, %swap3A_96] {strides = array<i32>} : memref<96x128xf32, #tpu.memory_space<vmem>>, vector<16xf32>,
        tpu.vector_store %arg14[%swap3A_95, %swap3A_96], %mul3A_94 {strides = array<i32>} : memref<96x128xf32, #tpu.memory_space<vmem>>, vector<16xf32>,
        %get3A_98 = arith.index_cast %add3A_69 : i32 to index
        %get3A_99 = arith.constant 64 : index
        %get3A_100 = tpu.vector_load %arg14[%get3A_98, %get3A_99] {strides = array<i32>} : memref<96x128xf32, #tpu.memory_space<vmem>>, vector<16xf32>,
        %mul3A_101 = arith.mulf %get3A_100, %gather3A : vector<16xf32>
        %swap3A_102 = arith.index_cast %add3A_69 : i32 to index
        %swap3A_103 = arith.constant 64 : index
        %swap3A_104 = tpu.vector_load %arg14[%swap3A_102, %swap3A_103] {strides = array<i32>} : memref<96x128xf32, #tpu.memory_space<vmem>>, vector<16xf32>,
        tpu.vector_store %arg14[%swap3A_102, %swap3A_103], %mul3A_101 {strides = array<i32>} : memref<96x128xf32, #tpu.memory_space<vmem>>, vector<16xf32>,
        %get3A_105 = arith.index_cast %add3A_69 : i32 to index
        %get3A_106 = arith.constant 80 : index
        %get3A_107 = tpu.vector_load %arg14[%get3A_105, %get3A_106] {strides = array<i32>} : memref<96x128xf32, #tpu.memory_space<vmem>>, vector<16xf32>,
        %mul3A_108 = arith.mulf %get3A_107, %gather3A : vector<16xf32>
        %swap3A_109 = arith.index_cast %add3A_69 : i32 to index
        %swap3A_110 = arith.constant 80 : index
        %swap3A_111 = tpu.vector_load %arg14[%swap3A_109, %swap3A_110] {strides = array<i32>} : memref<96x128xf32, #tpu.memory_space<vmem>>, vector<16xf32>,
        tpu.vector_store %arg14[%swap3A_109, %swap3A_110], %mul3A_108 {strides = array<i32>} : memref<96x128xf32, #tpu.memory_space<vmem>>, vector<16xf32>,
        %get3A_112 = arith.index_cast %add3A_69 : i32 to index
        %get3A_113 = arith.constant 96 : index
        %get3A_114 = tpu.vector_load %arg14[%get3A_112, %get3A_113] {strides = array<i32>} : memref<96x128xf32, #tpu.memory_space<vmem>>, vector<16xf32>,
        %mul3A_115 = arith.mulf %get3A_114, %gather3A : vector<16xf32>
        %swap3A_116 = arith.index_cast %add3A_69 : i32 to index
        %swap3A_117 = arith.constant 96 : index
        %swap3A_118 = tpu.vector_load %arg14[%swap3A_116, %swap3A_117] {strides = array<i32>} : memref<96x128xf32, #tpu.memory_space<vmem>>, vector<16xf32>,
        tpu.vector_store %arg14[%swap3A_116, %swap3A_117], %mul3A_115 {strides = array<i32>} : memref<96x128xf32, #tpu.memory_space<vmem>>, vector<16xf32>,
        %get3A_119 = arith.index_cast %add3A_69 : i32 to index
        %get3A_120 = arith.constant 112 : index
        %get3A_121 = tpu.vector_load %arg14[%get3A_119, %get3A_120] {strides = array<i32>} : memref<96x128xf32, #tpu.memory_space<vmem>>, vector<16xf32>,
        %mul3A_122 = arith.mulf %get3A_121, %gather3A : vector<16xf32>
        %swap3A_123 = arith.index_cast %add3A_69 : i32 to index
        %swap3A_124 = arith.constant 112 : index
        %swap3A_125 = tpu.vector_load %arg14[%swap3A_123, %swap3A_124] {strides = array<i32>} : memref<96x128xf32, #tpu.memory_space<vmem>>, vector<16xf32>,
        tpu.vector_store %arg14[%swap3A_123, %swap3A_124], %mul3A_122 {strides = array<i32>} : memref<96x128xf32, #tpu.memory_space<vmem>>, vector<16xf32>,
        %mul3A_126 = arith.constant 4 : i32
        %mul3A_127 = arith.muli %scan3A_65, %mul3A_126 : i32
        %add3A_128 = arith.constant 1 : i32
        %add3A_129 = arith.addi %mul3A_127, %add3A_128 : i32
        %add3A_130 = vector.broadcast %add3A_129 : i32 to vector<16xi32>
        %add3A_131 = arith.addi %broadcast_in_dim3A_3, %add3A_130 : vector<16xi32>
        %gather3A_132 = tpu.vector_load_idx %arg12[%add3A_131] : memref<96xf32, #tpu.memory_space<vmem>>[vector<16xi32>], vector<16xf32>,
        %get3A_133 = arith.index_cast %add3A_129 : i32 to index
        %get3A_134 = arith.constant 0 : index
        %get3A_135 = tpu.vector_load %arg14[%get3A_133, %get3A_134] {strides = array<i32>} : memref<96x128xf32, #tpu.memory_space<vmem>>, vector<16xf32>,
        %mul3A_136 = arith.mulf %get3A_135, %gather3A_132 : vector<16xf32>
        %swap3A_137 = arith.index_cast %add3A_129 : i32 to index
        %swap3A_138 = arith.constant 0 : index
        %swap3A_139 = tpu.vector_load %arg14[%swap3A_137, %swap3A_138] {strides = array<i32>} : memref<96x128xf32, #tpu.memory_space<vmem>>, vector<16xf32>,
        tpu.vector_store %arg14[%swap3A_137, %swap3A_138], %mul3A_136 {strides = array<i32>} : memref<96x128xf32, #tpu.memory_space<vmem>>, vector<16xf32>,
        %get3A_140 = arith.index_cast %add3A_129 : i32 to index
        %get3A_141 = arith.constant 16 : index
        %get3A_142 = tpu.vector_load %arg14[%get3A_140, %get3A_141] {strides = array<i32>} : memref<96x128xf32, #tpu.memory_space<vmem>>, vector<16xf32>,
        %mul3A_143 = arith.mulf %get3A_142, %gather3A_132 : vector<16xf32>
        %swap3A_144 = arith.index_cast %add3A_129 : i32 to index
        %swap3A_145 = arith.constant 16 : index
        %swap3A_146 = tpu.vector_load %arg14[%swap3A_144, %swap3A_145] {strides = array<i32>} : memref<96x128xf32, #tpu.memory_space<vmem>>, vector<16xf32>,
        tpu.vector_store %arg14[%swap3A_144, %swap3A_145], %mul3A_143 {strides = array<i32>} : memref<96x128xf32, #tpu.memory_space<vmem>>, vector<16xf32>,
        %get3A_147 = arith.index_cast %add3A_129 : i32 to index
        %get3A_148 = arith.constant 32 : index
        %get3A_149 = tpu.vector_load %arg14[%get3A_147, %get3A_148] {strides = array<i32>} : memref<96x128xf32, #tpu.memory_space<vmem>>, vector<16xf32>,
        %mul3A_150 = arith.mulf %get3A_149, %gather3A_132 : vector<16xf32>
        %swap3A_151 = arith.index_cast %add3A_129 : i32 to index
        %swap3A_152 = arith.constant 32 : index
        %swap3A_153 = tpu.vector_load %arg14[%swap3A_151, %swap3A_152] {strides = array<i32>} : memref<96x128xf32, #tpu.memory_space<vmem>>, vector<16xf32>,
        tpu.vector_store %arg14[%swap3A_151, %swap3A_152], %mul3A_150 {strides = array<i32>} : memref<96x128xf32, #tpu.memory_space<vmem>>, vector<16xf32>,
        %get3A_154 = arith.index_cast %add3A_129 : i32 to index
        %get3A_155 = arith.constant 48 : index
        %get3A_156 = tpu.vector_load %arg14[%get3A_154, %get3A_155] {strides = array<i32>} : memref<96x128xf32, #tpu.memory_space<vmem>>, vector<16xf32>,
        %mul3A_157 = arith.mulf %get3A_156, %gather3A_132 : vector<16xf32>
        %swap3A_158 = arith.index_cast %add3A_129 : i32 to index
        %swap3A_159 = arith.constant 48 : index
        %swap3A_160 = tpu.vector_load %arg14[%swap3A_158, %swap3A_159] {strides = array<i32>} : memref<96x128xf32, #tpu.memory_space<vmem>>, vector<16xf32>,
        tpu.vector_store %arg14[%swap3A_158, %swap3A_159], %mul3A_157 {strides = array<i32>} : memref<96x128xf32, #tpu.memory_space<vmem>>, vector<16xf32>,
        %get3A_161 = arith.index_cast %add3A_129 : i32 to index
        %get3A_162 = arith.constant 64 : index
        %get3A_163 = tpu.vector_load %arg14[%get3A_161, %get3A_162] {strides = array<i32>} : memref<96x128xf32, #tpu.memory_space<vmem>>, vector<16xf32>,
        %mul3A_164 = arith.mulf %get3A_163, %gather3A_132 : vector<16xf32>
        %swap3A_165 = arith.index_cast %add3A_129 : i32 to index
        %swap3A_166 = arith.constant 64 : index
        %swap3A_167 = tpu.vector_load %arg14[%swap3A_165, %swap3A_166] {strides = array<i32>} : memref<96x128xf32, #tpu.memory_space<vmem>>, vector<16xf32>,
        tpu.vector_store %arg14[%swap3A_165, %swap3A_166], %mul3A_164 {strides = array<i32>} : memref<96x128xf32, #tpu.memory_space<vmem>>, vector<16xf32>,
        %get3A_168 = arith.index_cast %add3A_129 : i32 to index
        %get3A_169 = arith.constant 80 : index
        %get3A_170 = tpu.vector_load %arg14[%get3A_168, %get3A_169] {strides = array<i32>} : memref<96x128xf32, #tpu.memory_space<vmem>>, vector<16xf32>,
        %mul3A_171 = arith.mulf %get3A_170, %gather3A_132 : vector<16xf32>
        %swap3A_172 = arith.index_cast %add3A_129 : i32 to index
        %swap3A_173 = arith.constant 80 : index
        %swap3A_174 = tpu.vector_load %arg14[%swap3A_172, %swap3A_173] {strides = array<i32>} : memref<96x128xf32, #tpu.memory_space<vmem>>, vector<16xf32>,
        tpu.vector_store %arg14[%swap3A_172, %swap3A_173], %mul3A_171 {strides = array<i32>} : memref<96x128xf32, #tpu.memory_space<vmem>>, vector<16xf32>,
        %get3A_175 = arith.index_cast %add3A_129 : i32 to index
        %get3A_176 = arith.constant 96 : index
        %get3A_177 = tpu.vector_load %arg14[%get3A_175, %get3A_176] {strides = array<i32>} : memref<96x128xf32, #tpu.memory_space<vmem>>, vector<16xf32>,
        %mul3A_178 = arith.mulf %get3A_177, %gather3A_132 : vector<16xf32>
        %swap3A_179 = arith.index_cast %add3A_129 : i32 to index
        %swap3A_180 = arith.constant 96 : index
        %swap3A_181 = tpu.vector_load %arg14[%swap3A_179, %swap3A_180] {strides = array<i32>} : memref<96x128xf32, #tpu.memory_space<vmem>>, vector<16xf32>,
        tpu.vector_store %arg14[%swap3A_179, %swap3A_180], %mul3A_178 {strides = array<i32>} : memref<96x128xf32, #tpu.memory_space<vmem>>, vector<16xf32>,
        %get3A_182 = arith.index_cast %add3A_129 : i32 to index
        %get3A_183 = arith.constant 112 : index
        %get3A_184 = tpu.vector_load %arg14[%get3A_182, %get3A_183] {strides = array<i32>} : memref<96x128xf32, #tpu.memory_space<vmem>>, vector<16xf32>,
        %mul3A_185 = arith.mulf %get3A_184, %gather3A_132 : vector<16xf32>
        %swap3A_186 = arith.index_cast %add3A_129 : i32 to index
        %swap3A_187 = arith.constant 112 : index
        %swap3A_188 = tpu.vector_load %arg14[%swap3A_186, %swap3A_187] {strides = array<i32>} : memref<96x128xf32, #tpu.memory_space<vmem>>, vector<16xf32>,
        tpu.vector_store %arg14[%swap3A_186, %swap3A_187], %mul3A_185 {strides = array<i32>} : memref<96x128xf32, #tpu.memory_space<vmem>>, vector<16xf32>,
        %mul3A_189 = arith.constant 4 : i32
        %mul3A_190 = arith.muli %scan3A_65, %mul3A_189 : i32
        %add3A_191 = arith.constant 2 : i32
        %add3A_192 = arith.addi %mul3A_190, %add3A_191 : i32
        %add3A_193 = vector.broadcast %add3A_192 : i32 to vector<16xi32>
        %add3A_194 = arith.addi %broadcast_in_dim3A_3, %add3A_193 : vector<16xi32>
        %gather3A_195 = tpu.vector_load_idx %arg12[%add3A_194] : memref<96xf32, #tpu.memory_space<vmem>>[vector<16xi32>], vector<16xf32>,
        %get3A_196 = arith.index_cast %add3A_192 : i32 to index
        %get3A_197 = arith.constant 0 : index
        %get3A_198 = tpu.vector_load %arg14[%get3A_196, %get3A_197] {strides = array<i32>} : memref<96x128xf32, #tpu.memory_space<vmem>>, vector<16xf32>,
        %mul3A_199 = arith.mulf %get3A_198, %gather3A_195 : vector<16xf32>
        %swap3A_200 = arith.index_cast %add3A_192 : i32 to index
        %swap3A_201 = arith.constant 0 : index
        %swap3A_202 = tpu.vector_load %arg14[%swap3A_200, %swap3A_201] {strides = array<i32>} : memref<96x128xf32, #tpu.memory_space<vmem>>, vector<16xf32>,
        tpu.vector_store %arg14[%swap3A_200, %swap3A_201], %mul3A_199 {strides = array<i32>} : memref<96x128xf32, #tpu.memory_space<vmem>>, vector<16xf32>,
        %get3A_203 = arith.index_cast %add3A_192 : i32 to index
        %get3A_204 = arith.constant 16 : index
        %get3A_205 = tpu.vector_load %arg14[%get3A_203, %get3A_204] {strides = array<i32>} : memref<96x128xf32, #tpu.memory_space<vmem>>, vector<16xf32>,
        %mul3A_206 = arith.mulf %get3A_205, %gather3A_195 : vector<16xf32>
        %swap3A_207 = arith.index_cast %add3A_192 : i32 to index
        %swap3A_208 = arith.constant 16 : index
        %swap3A_209 = tpu.vector_load %arg14[%swap3A_207, %swap3A_208] {strides = array<i32>} : memref<96x128xf32, #tpu.memory_space<vmem>>, vector<16xf32>,
        tpu.vector_store %arg14[%swap3A_207, %swap3A_208], %mul3A_206 {strides = array<i32>} : memref<96x128xf32, #tpu.memory_space<vmem>>, vector<16xf32>,
        %get3A_210 = arith.index_cast %add3A_192 : i32 to index
        %get3A_211 = arith.constant 32 : index
        %get3A_212 = tpu.vector_load %arg14[%get3A_210, %get3A_211] {strides = array<i32>} : memref<96x128xf32, #tpu.memory_space<vmem>>, vector<16xf32>,
        %mul3A_213 = arith.mulf %get3A_212, %gather3A_195 : vector<16xf32>
        %swap3A_214 = arith.index_cast %add3A_192 : i32 to index
        %swap3A_215 = arith.constant 32 : index
        %swap3A_216 = tpu.vector_load %arg14[%swap3A_214, %swap3A_215] {strides = array<i32>} : memref<96x128xf32, #tpu.memory_space<vmem>>, vector<16xf32>,
        tpu.vector_store %arg14[%swap3A_214, %swap3A_215], %mul3A_213 {strides = array<i32>} : memref<96x128xf32, #tpu.memory_space<vmem>>, vector<16xf32>,
        %get3A_217 = arith.index_cast %add3A_192 : i32 to index
        %get3A_218 = arith.constant 48 : index
        %get3A_219 = tpu.vector_load %arg14[%get3A_217, %get3A_218] {strides = array<i32>} : memref<96x128xf32, #tpu.memory_space<vmem>>, vector<16xf32>,
        %mul3A_220 = arith.mulf %get3A_219, %gather3A_195 : vector<16xf32>
        %swap3A_221 = arith.index_cast %add3A_192 : i32 to index
        %swap3A_222 = arith.constant 48 : index
        %swap3A_223 = tpu.vector_load %arg14[%swap3A_221, %swap3A_222] {strides = array<i32>} : memref<96x128xf32, #tpu.memory_space<vmem>>, vector<16xf32>,
        tpu.vector_store %arg14[%swap3A_221, %swap3A_222], %mul3A_220 {strides = array<i32>} : memref<96x128xf32, #tpu.memory_space<vmem>>, vector<16xf32>,
        %get3A_224 = arith.index_cast %add3A_192 : i32 to index
        %get3A_225 = arith.constant 64 : index
        %get3A_226 = tpu.vector_load %arg14[%get3A_224, %get3A_225] {strides = array<i32>} : memref<96x128xf32, #tpu.memory_space<vmem>>, vector<16xf32>,
        %mul3A_227 = arith.mulf %get3A_226, %gather3A_195 : vector<16xf32>
        %swap3A_228 = arith.index_cast %add3A_192 : i32 to index
        %swap3A_229 = arith.constant 64 : index
        %swap3A_230 = tpu.vector_load %arg14[%swap3A_228, %swap3A_229] {strides = array<i32>} : memref<96x128xf32, #tpu.memory_space<vmem>>, vector<16xf32>,
        tpu.vector_store %arg14[%swap3A_228, %swap3A_229], %mul3A_227 {strides = array<i32>} : memref<96x128xf32, #tpu.memory_space<vmem>>, vector<16xf32>,
        %get3A_231 = arith.index_cast %add3A_192 : i32 to index
        %get3A_232 = arith.constant 80 : index
        %get3A_233 = tpu.vector_load %arg14[%get3A_231, %get3A_232] {strides = array<i32>} : memref<96x128xf32, #tpu.memory_space<vmem>>, vector<16xf32>,
        %mul3A_234 = arith.mulf %get3A_233, %gather3A_195 : vector<16xf32>
        %swap3A_235 = arith.index_cast %add3A_192 : i32 to index
        %swap3A_236 = arith.constant 80 : index
        %swap3A_237 = tpu.vector_load %arg14[%swap3A_235, %swap3A_236] {strides = array<i32>} : memref<96x128xf32, #tpu.memory_space<vmem>>, vector<16xf32>,
        tpu.vector_store %arg14[%swap3A_235, %swap3A_236], %mul3A_234 {strides = array<i32>} : memref<96x128xf32, #tpu.memory_space<vmem>>, vector<16xf32>,
        %get3A_238 = arith.index_cast %add3A_192 : i32 to index
        %get3A_239 = arith.constant 96 : index
        %get3A_240 = tpu.vector_load %arg14[%get3A_238, %get3A_239] {strides = array<i32>} : memref<96x128xf32, #tpu.memory_space<vmem>>, vector<16xf32>,
        %mul3A_241 = arith.mulf %get3A_240, %gather3A_195 : vector<16xf32>
        %swap3A_242 = arith.index_cast %add3A_192 : i32 to index
        %swap3A_243 = arith.constant 96 : index
        %swap3A_244 = tpu.vector_load %arg14[%swap3A_242, %swap3A_243] {strides = array<i32>} : memref<96x128xf32, #tpu.memory_space<vmem>>, vector<16xf32>,
        tpu.vector_store %arg14[%swap3A_242, %swap3A_243], %mul3A_241 {strides = array<i32>} : memref<96x128xf32, #tpu.memory_space<vmem>>, vector<16xf32>,
        %get3A_245 = arith.index_cast %add3A_192 : i32 to index
        %get3A_246 = arith.constant 112 : index
        %get3A_247 = tpu.vector_load %arg14[%get3A_245, %get3A_246] {strides = array<i32>} : memref<96x128xf32, #tpu.memory_space<vmem>>, vector<16xf32>,
        %mul3A_248 = arith.mulf %get3A_247, %gather3A_195 : vector<16xf32>
        %swap3A_249 = arith.index_cast %add3A_192 : i32 to index
        %swap3A_250 = arith.constant 112 : index
        %swap3A_251 = tpu.vector_load %arg14[%swap3A_249, %swap3A_250] {strides = array<i32>} : memref<96x128xf32, #tpu.memory_space<vmem>>, vector<16xf32>,
        tpu.vector_store %arg14[%swap3A_249, %swap3A_250], %mul3A_248 {strides = array<i32>} : memref<96x128xf32, #tpu.memory_space<vmem>>, vector<16xf32>,
        %mul3A_252 = arith.constant 4 : i32
        %mul3A_253 = arith.muli %scan3A_65, %mul3A_252 : i32
        %add3A_254 = arith.constant 3 : i32
        %add3A_255 = arith.addi %mul3A_253, %add3A_254 : i32
        %add3A_256 = vector.broadcast %add3A_255 : i32 to vector<16xi32>
        %add3A_257 = arith.addi %broadcast_in_dim3A_3, %add3A_256 : vector<16xi32>
        %gather3A_258 = tpu.vector_load_idx %arg12[%add3A_257] : memref<96xf32, #tpu.memory_space<vmem>>[vector<16xi32>], vector<16xf32>,
        %get3A_259 = arith.index_cast %add3A_255 : i32 to index
        %get3A_260 = arith.constant 0 : index
        %get3A_261 = tpu.vector_load %arg14[%get3A_259, %get3A_260] {strides = array<i32>} : memref<96x128xf32, #tpu.memory_space<vmem>>, vector<16xf32>,
        %mul3A_262 = arith.mulf %get3A_261, %gather3A_258 : vector<16xf32>
        %swap3A_263 = arith.index_cast %add3A_255 : i32 to index
        %swap3A_264 = arith.constant 0 : index
        %swap3A_265 = tpu.vector_load %arg14[%swap3A_263, %swap3A_264] {strides = array<i32>} : memref<96x128xf32, #tpu.memory_space<vmem>>, vector<16xf32>,
        tpu.vector_store %arg14[%swap3A_263, %swap3A_264], %mul3A_262 {strides = array<i32>} : memref<96x128xf32, #tpu.memory_space<vmem>>, vector<16xf32>,
        %get3A_266 = arith.index_cast %add3A_255 : i32 to index
        %get3A_267 = arith.constant 16 : index
        %get3A_268 = tpu.vector_load %arg14[%get3A_266, %get3A_267] {strides = array<i32>} : memref<96x128xf32, #tpu.memory_space<vmem>>, vector<16xf32>,
        %mul3A_269 = arith.mulf %get3A_268, %gather3A_258 : vector<16xf32>
        %swap3A_270 = arith.index_cast %add3A_255 : i32 to index
        %swap3A_271 = arith.constant 16 : index
        %swap3A_272 = tpu.vector_load %arg14[%swap3A_270, %swap3A_271] {strides = array<i32>} : memref<96x128xf32, #tpu.memory_space<vmem>>, vector<16xf32>,
        tpu.vector_store %arg14[%swap3A_270, %swap3A_271], %mul3A_269 {strides = array<i32>} : memref<96x128xf32, #tpu.memory_space<vmem>>, vector<16xf32>,
        %get3A_273 = arith.index_cast %add3A_255 : i32 to index
        %get3A_274 = arith.constant 32 : index
        %get3A_275 = tpu.vector_load %arg14[%get3A_273, %get3A_274] {strides = array<i32>} : memref<96x128xf32, #tpu.memory_space<vmem>>, vector<16xf32>,
        %mul3A_276 = arith.mulf %get3A_275, %gather3A_258 : vector<16xf32>
        %swap3A_277 = arith.index_cast %add3A_255 : i32 to index
        %swap3A_278 = arith.constant 32 : index
        %swap3A_279 = tpu.vector_load %arg14[%swap3A_277, %swap3A_278] {strides = array<i32>} : memref<96x128xf32, #tpu.memory_space<vmem>>, vector<16xf32>,
        tpu.vector_store %arg14[%swap3A_277, %swap3A_278], %mul3A_276 {strides = array<i32>} : memref<96x128xf32, #tpu.memory_space<vmem>>, vector<16xf32>,
        %get3A_280 = arith.index_cast %add3A_255 : i32 to index
        %get3A_281 = arith.constant 48 : index
        %get3A_282 = tpu.vector_load %arg14[%get3A_280, %get3A_281] {strides = array<i32>} : memref<96x128xf32, #tpu.memory_space<vmem>>, vector<16xf32>,
        %mul3A_283 = arith.mulf %get3A_282, %gather3A_258 : vector<16xf32>
        %swap3A_284 = arith.index_cast %add3A_255 : i32 to index
        %swap3A_285 = arith.constant 48 : index
        %swap3A_286 = tpu.vector_load %arg14[%swap3A_284, %swap3A_285] {strides = array<i32>} : memref<96x128xf32, #tpu.memory_space<vmem>>, vector<16xf32>,
        tpu.vector_store %arg14[%swap3A_284, %swap3A_285], %mul3A_283 {strides = array<i32>} : memref<96x128xf32, #tpu.memory_space<vmem>>, vector<16xf32>,
        %get3A_287 = arith.index_cast %add3A_255 : i32 to index
        %get3A_288 = arith.constant 64 : index
        %get3A_289 = tpu.vector_load %arg14[%get3A_287, %get3A_288] {strides = array<i32>} : memref<96x128xf32, #tpu.memory_space<vmem>>, vector<16xf32>,
        %mul3A_290 = arith.mulf %get3A_289, %gather3A_258 : vector<16xf32>
        %swap3A_291 = arith.index_cast %add3A_255 : i32 to index
        %swap3A_292 = arith.constant 64 : index
        %swap3A_293 = tpu.vector_load %arg14[%swap3A_291, %swap3A_292] {strides = array<i32>} : memref<96x128xf32, #tpu.memory_space<vmem>>, vector<16xf32>,
        tpu.vector_store %arg14[%swap3A_291, %swap3A_292], %mul3A_290 {strides = array<i32>} : memref<96x128xf32, #tpu.memory_space<vmem>>, vector<16xf32>,
        %get3A_294 = arith.index_cast %add3A_255 : i32 to index
        %get3A_295 = arith.constant 80 : index
        %get3A_296 = tpu.vector_load %arg14[%get3A_294, %get3A_295] {strides = array<i32>} : memref<96x128xf32, #tpu.memory_space<vmem>>, vector<16xf32>,
        %mul3A_297 = arith.mulf %get3A_296, %gather3A_258 : vector<16xf32>
        %swap3A_298 = arith.index_cast %add3A_255 : i32 to index
        %swap3A_299 = arith.constant 80 : index
        %swap3A_300 = tpu.vector_load %arg14[%swap3A_298, %swap3A_299] {strides = array<i32>} : memref<96x128xf32, #tpu.memory_space<vmem>>, vector<16xf32>,
        tpu.vector_store %arg14[%swap3A_298, %swap3A_299], %mul3A_297 {strides = array<i32>} : memref<96x128xf32, #tpu.memory_space<vmem>>, vector<16xf32>,
        %get3A_301 = arith.index_cast %add3A_255 : i32 to index
        %get3A_302 = arith.constant 96 : index
        %get3A_303 = tpu.vector_load %arg14[%get3A_301, %get3A_302] {strides = array<i32>} : memref<96x128xf32, #tpu.memory_space<vmem>>, vector<16xf32>,
        %mul3A_304 = arith.mulf %get3A_303, %gather3A_258 : vector<16xf32>
        %swap3A_305 = arith.index_cast %add3A_255 : i32 to index
        %swap3A_306 = arith.constant 96 : index
        %swap3A_307 = tpu.vector_load %arg14[%swap3A_305, %swap3A_306] {strides = array<i32>} : memref<96x128xf32, #tpu.memory_space<vmem>>, vector<16xf32>,
        tpu.vector_store %arg14[%swap3A_305, %swap3A_306], %mul3A_304 {strides = array<i32>} : memref<96x128xf32, #tpu.memory_space<vmem>>, vector<16xf32>,
        %get3A_308 = arith.index_cast %add3A_255 : i32 to index
        %get3A_309 = arith.constant 112 : index
        %get3A_310 = tpu.vector_load %arg14[%get3A_308, %get3A_309] {strides = array<i32>} : memref<96x128xf32, #tpu.memory_space<vmem>>, vector<16xf32>,
        %mul3A_311 = arith.mulf %get3A_310, %gather3A_258 : vector<16xf32>
        %swap3A_312 = arith.index_cast %add3A_255 : i32 to index
        %swap3A_313 = arith.constant 112 : index
        %swap3A_314 = tpu.vector_load %arg14[%swap3A_312, %swap3A_313] {strides = array<i32>} : memref<96x128xf32, #tpu.memory_space<vmem>>, vector<16xf32>,
        tpu.vector_store %arg14[%swap3A_312, %swap3A_313], %mul3A_311 {strides = array<i32>} : memref<96x128xf32, #tpu.memory_space<vmem>>, vector<16xf32>,
      }
      %scan3A_40 = arith.constant 24 : i32
      %dma_start3A_41 = arith.constant 0 : i32
      %dma_start3A_42 = arith.constant 0 : i32
      %dma_start3A_43 = tpu.memref_slice %arg16[%dma_start3A_41, %dma_start3A_42] : memref<10112x128xf32, #tpu.memory_space<vmem_shared>> -> memref<10112x128xf32, #tpu.memory_space<vmem_shared>>
      tpu.enqueue_indirect_dma source(%arg14 : memref<96x128xf32, #tpu.memory_space<vmem>>) target(%dma_start3A_43 : memref<10112x128xf32, #tpu.memory_space<vmem_shared>>) offsets(%arg10 : memref<96xi32, #tpu.memory_space<vmem>>) semaphore(%arg19 : memref<!tpu.dma_semaphore, #tpu.memory_space<semaphore_mem>>) {add = true}
      %mul3A_44 = arith.constant 2 : i32
      %mul3A_45 = arith.muli %mul3A_44, %scan3A_26 : i32
      %add3A_46 = arith.constant 1 : i32
      %add3A_47 = arith.addi %mul3A_45, %add3A_46 : i32
      %mul3A_48 = arith.constant 96 : i32
      %mul3A_49 = arith.muli %add3A_47, %mul3A_48 : i32
      %add3A_50 = arith.addi %mul3A_5, %mul3A_49 : i32
      "tpu.region"() ({
        %run_scoped3A = tpu.sem_alloc : memref<!tpu.dma_semaphore, #tpu.memory_space<semaphore_mem>>
        %dma_start3A_65 = tpu.memref_slice %arg3[%add3A_50] : memref<331776xi32, #tpu.memory_space<hbm>> -> memref<96xi32, #tpu.memory_space<hbm>>
        %dma_start3A_66 = tpu.memref_slice %arg3[%add3A_50] : memref<331776xi32, #tpu.memory_space<hbm>> -> memref<96xi32, #tpu.memory_space<hbm>>
        tpu.enqueue_dma source(%dma_start3A_66 : memref<96xi32, #tpu.memory_space<hbm>>) target(%arg11 : memref<96xi32, #tpu.memory_space<vmem>>) target_semaphore(%run_scoped3A : memref<!tpu.dma_semaphore, #tpu.memory_space<semaphore_mem>>)
        %dma_wait3A_67 = tpu.memref_slice %arg3[%add3A_50] : memref<331776xi32, #tpu.memory_space<hbm>> -> memref<96xi32, #tpu.memory_space<hbm>>
        %dma_wait3A_68 = tpu.memref_slice %arg3[%add3A_50] : memref<331776xi32, #tpu.memory_space<hbm>> -> memref<96xi32, #tpu.memory_space<hbm>>
        tpu.wait_dma2 semaphore(%run_scoped3A : memref<!tpu.dma_semaphore, #tpu.memory_space<semaphore_mem>>) src(%dma_wait3A_68 : memref<96xi32, #tpu.memory_space<hbm>>) dst(%arg11 : memref<96xi32, #tpu.memory_space<vmem>>)
        tpu.yield
      }) : () -> ()
      "tpu.region"() ({
        %run_scoped3A = tpu.sem_alloc : memref<!tpu.dma_semaphore, #tpu.memory_space<semaphore_mem>>
        %dma_start3A_65 = tpu.memref_slice %arg5[%add3A_50] : memref<331776xf32, #tpu.memory_space<hbm>> -> memref<96xf32, #tpu.memory_space<hbm>>
        %dma_start3A_66 = tpu.memref_slice %arg5[%add3A_50] : memref<331776xf32, #tpu.memory_space<hbm>> -> memref<96xf32, #tpu.memory_space<hbm>>
        tpu.enqueue_dma source(%dma_start3A_66 : memref<96xf32, #tpu.memory_space<hbm>>) target(%arg13 : memref<96xf32, #tpu.memory_space<vmem>>) target_semaphore(%run_scoped3A : memref<!tpu.dma_semaphore, #tpu.memory_space<semaphore_mem>>)
        %dma_wait3A_67 = tpu.memref_slice %arg5[%add3A_50] : memref<331776xf32, #tpu.memory_space<hbm>> -> memref<96xf32, #tpu.memory_space<hbm>>
        %dma_wait3A_68 = tpu.memref_slice %arg5[%add3A_50] : memref<331776xf32, #tpu.memory_space<hbm>> -> memref<96xf32, #tpu.memory_space<hbm>>
        tpu.wait_dma2 semaphore(%run_scoped3A : memref<!tpu.dma_semaphore, #tpu.memory_space<semaphore_mem>>) src(%dma_wait3A_68 : memref<96xf32, #tpu.memory_space<hbm>>) dst(%arg13 : memref<96xf32, #tpu.memory_space<vmem>>)
        tpu.yield
      }) : () -> ()
      %dma_wait3A_51 = arith.constant 0 : i32
      %dma_wait3A_52 = arith.constant 0 : i32
      %dma_wait3A_53 = tpu.memref_slice %arg4[%dma_wait3A_51, %dma_wait3A_52] : memref<10000x128xf32, #tpu.memory_space<hbm>> -> memref<10000x128xf32, #tpu.memory_space<hbm>>
      tpu.wait_indirect_dma semaphore(%arg18 : memref<!tpu.dma_semaphore, #tpu.memory_space<semaphore_mem>>) src(%dma_wait3A_53 : memref<10000x128xf32, #tpu.memory_space<hbm>>) dst(%arg15 : memref<96x128xf32, #tpu.memory_space<vmem>>)
      %scan3A_54 = arith.constant 0 : i32
      %scan3A_55 = arith.constant 0 : i32
      %scan3A_56 = arith.constant 24 : i32
      %scan3A_57 = arith.addi %scan3A_55, %scan3A_56 : i32
      %scan3A_58 = arith.constant 1 : i32
      scf.for %scan3A_65 = %scan3A_55 to %scan3A_57 step %scan3A_58  : i32 {
        %mul3A_66 = arith.constant 4 : i32
        %mul3A_67 = arith.muli %scan3A_65, %mul3A_66 : i32
        %add3A_68 = arith.constant 0 : i32
        %add3A_69 = arith.addi %mul3A_67, %add3A_68 : i32
        %add3A_70 = vector.broadcast %add3A_69 : i32 to vector<16xi32>
        %add3A_71 = arith.addi %broadcast_in_dim3A_3, %add3A_70 : vector<16xi32>
        %gather3A = tpu.vector_load_idx %arg13[%add3A_71] : memref<96xf32, #tpu.memory_space<vmem>>[vector<16xi32>], vector<16xf32>,
        %get3A = arith.index_cast %add3A_69 : i32 to index
        %get3A_72 = arith.constant 0 : index
        %get3A_73 = tpu.vector_load %arg15[%get3A, %get3A_72] {strides = array<i32>} : memref<96x128xf32, #tpu.memory_space<vmem>>, vector<16xf32>,
        %mul3A_74 = arith.mulf %get3A_73, %gather3A : vector<16xf32>
        %swap3A = arith.index_cast %add3A_69 : i32 to index
        %swap3A_75 = arith.constant 0 : index
        %swap3A_76 = tpu.vector_load %arg15[%swap3A, %swap3A_75] {strides = array<i32>} : memref<96x128xf32, #tpu.memory_space<vmem>>, vector<16xf32>,
        tpu.vector_store %arg15[%swap3A, %swap3A_75], %mul3A_74 {strides = array<i32>} : memref<96x128xf32, #tpu.memory_space<vmem>>, vector<16xf32>,
        %get3A_77 = arith.index_cast %add3A_69 : i32 to index
        %get3A_78 = arith.constant 16 : index
        %get3A_79 = tpu.vector_load %arg15[%get3A_77, %get3A_78] {strides = array<i32>} : memref<96x128xf32, #tpu.memory_space<vmem>>, vector<16xf32>,
        %mul3A_80 = arith.mulf %get3A_79, %gather3A : vector<16xf32>
        %swap3A_81 = arith.index_cast %add3A_69 : i32 to index
        %swap3A_82 = arith.constant 16 : index
        %swap3A_83 = tpu.vector_load %arg15[%swap3A_81, %swap3A_82] {strides = array<i32>} : memref<96x128xf32, #tpu.memory_space<vmem>>, vector<16xf32>,
        tpu.vector_store %arg15[%swap3A_81, %swap3A_82], %mul3A_80 {strides = array<i32>} : memref<96x128xf32, #tpu.memory_space<vmem>>, vector<16xf32>,
        %get3A_84 = arith.index_cast %add3A_69 : i32 to index
        %get3A_85 = arith.constant 32 : index
        %get3A_86 = tpu.vector_load %arg15[%get3A_84, %get3A_85] {strides = array<i32>} : memref<96x128xf32, #tpu.memory_space<vmem>>, vector<16xf32>,
        %mul3A_87 = arith.mulf %get3A_86, %gather3A : vector<16xf32>
        %swap3A_88 = arith.index_cast %add3A_69 : i32 to index
        %swap3A_89 = arith.constant 32 : index
        %swap3A_90 = tpu.vector_load %arg15[%swap3A_88, %swap3A_89] {strides = array<i32>} : memref<96x128xf32, #tpu.memory_space<vmem>>, vector<16xf32>,
        tpu.vector_store %arg15[%swap3A_88, %swap3A_89], %mul3A_87 {strides = array<i32>} : memref<96x128xf32, #tpu.memory_space<vmem>>, vector<16xf32>,
        %get3A_91 = arith.index_cast %add3A_69 : i32 to index
        %get3A_92 = arith.constant 48 : index
        %get3A_93 = tpu.vector_load %arg15[%get3A_91, %get3A_92] {strides = array<i32>} : memref<96x128xf32, #tpu.memory_space<vmem>>, vector<16xf32>,
        %mul3A_94 = arith.mulf %get3A_93, %gather3A : vector<16xf32>
        %swap3A_95 = arith.index_cast %add3A_69 : i32 to index
        %swap3A_96 = arith.constant 48 : index
        %swap3A_97 = tpu.vector_load %arg15[%swap3A_95, %swap3A_96] {strides = array<i32>} : memref<96x128xf32, #tpu.memory_space<vmem>>, vector<16xf32>,
        tpu.vector_store %arg15[%swap3A_95, %swap3A_96], %mul3A_94 {strides = array<i32>} : memref<96x128xf32, #tpu.memory_space<vmem>>, vector<16xf32>,
        %get3A_98 = arith.index_cast %add3A_69 : i32 to index
        %get3A_99 = arith.constant 64 : index
        %get3A_100 = tpu.vector_load %arg15[%get3A_98, %get3A_99] {strides = array<i32>} : memref<96x128xf32, #tpu.memory_space<vmem>>, vector<16xf32>,
        %mul3A_101 = arith.mulf %get3A_100, %gather3A : vector<16xf32>
        %swap3A_102 = arith.index_cast %add3A_69 : i32 to index
        %swap3A_103 = arith.constant 64 : index
        %swap3A_104 = tpu.vector_load %arg15[%swap3A_102, %swap3A_103] {strides = array<i32>} : memref<96x128xf32, #tpu.memory_space<vmem>>, vector<16xf32>,
        tpu.vector_store %arg15[%swap3A_102, %swap3A_103], %mul3A_101 {strides = array<i32>} : memref<96x128xf32, #tpu.memory_space<vmem>>, vector<16xf32>,
        %get3A_105 = arith.index_cast %add3A_69 : i32 to index
        %get3A_106 = arith.constant 80 : index
        %get3A_107 = tpu.vector_load %arg15[%get3A_105, %get3A_106] {strides = array<i32>} : memref<96x128xf32, #tpu.memory_space<vmem>>, vector<16xf32>,
        %mul3A_108 = arith.mulf %get3A_107, %gather3A : vector<16xf32>
        %swap3A_109 = arith.index_cast %add3A_69 : i32 to index
        %swap3A_110 = arith.constant 80 : index
        %swap3A_111 = tpu.vector_load %arg15[%swap3A_109, %swap3A_110] {strides = array<i32>} : memref<96x128xf32, #tpu.memory_space<vmem>>, vector<16xf32>,
        tpu.vector_store %arg15[%swap3A_109, %swap3A_110], %mul3A_108 {strides = array<i32>} : memref<96x128xf32, #tpu.memory_space<vmem>>, vector<16xf32>,
        %get3A_112 = arith.index_cast %add3A_69 : i32 to index
        %get3A_113 = arith.constant 96 : index
        %get3A_114 = tpu.vector_load %arg15[%get3A_112, %get3A_113] {strides = array<i32>} : memref<96x128xf32, #tpu.memory_space<vmem>>, vector<16xf32>,
        %mul3A_115 = arith.mulf %get3A_114, %gather3A : vector<16xf32>
        %swap3A_116 = arith.index_cast %add3A_69 : i32 to index
        %swap3A_117 = arith.constant 96 : index
        %swap3A_118 = tpu.vector_load %arg15[%swap3A_116, %swap3A_117] {strides = array<i32>} : memref<96x128xf32, #tpu.memory_space<vmem>>, vector<16xf32>,
        tpu.vector_store %arg15[%swap3A_116, %swap3A_117], %mul3A_115 {strides = array<i32>} : memref<96x128xf32, #tpu.memory_space<vmem>>, vector<16xf32>,
        %get3A_119 = arith.index_cast %add3A_69 : i32 to index
        %get3A_120 = arith.constant 112 : index
        %get3A_121 = tpu.vector_load %arg15[%get3A_119, %get3A_120] {strides = array<i32>} : memref<96x128xf32, #tpu.memory_space<vmem>>, vector<16xf32>,
        %mul3A_122 = arith.mulf %get3A_121, %gather3A : vector<16xf32>
        %swap3A_123 = arith.index_cast %add3A_69 : i32 to index
        %swap3A_124 = arith.constant 112 : index
        %swap3A_125 = tpu.vector_load %arg15[%swap3A_123, %swap3A_124] {strides = array<i32>} : memref<96x128xf32, #tpu.memory_space<vmem>>, vector<16xf32>,
        tpu.vector_store %arg15[%swap3A_123, %swap3A_124], %mul3A_122 {strides = array<i32>} : memref<96x128xf32, #tpu.memory_space<vmem>>, vector<16xf32>,
        %mul3A_126 = arith.constant 4 : i32
        %mul3A_127 = arith.muli %scan3A_65, %mul3A_126 : i32
        %add3A_128 = arith.constant 1 : i32
        %add3A_129 = arith.addi %mul3A_127, %add3A_128 : i32
        %add3A_130 = vector.broadcast %add3A_129 : i32 to vector<16xi32>
        %add3A_131 = arith.addi %broadcast_in_dim3A_3, %add3A_130 : vector<16xi32>
        %gather3A_132 = tpu.vector_load_idx %arg13[%add3A_131] : memref<96xf32, #tpu.memory_space<vmem>>[vector<16xi32>], vector<16xf32>,
        %get3A_133 = arith.index_cast %add3A_129 : i32 to index
        %get3A_134 = arith.constant 0 : index
        %get3A_135 = tpu.vector_load %arg15[%get3A_133, %get3A_134] {strides = array<i32>} : memref<96x128xf32, #tpu.memory_space<vmem>>, vector<16xf32>,
        %mul3A_136 = arith.mulf %get3A_135, %gather3A_132 : vector<16xf32>
        %swap3A_137 = arith.index_cast %add3A_129 : i32 to index
        %swap3A_138 = arith.constant 0 : index
        %swap3A_139 = tpu.vector_load %arg15[%swap3A_137, %swap3A_138] {strides = array<i32>} : memref<96x128xf32, #tpu.memory_space<vmem>>, vector<16xf32>,
        tpu.vector_store %arg15[%swap3A_137, %swap3A_138], %mul3A_136 {strides = array<i32>} : memref<96x128xf32, #tpu.memory_space<vmem>>, vector<16xf32>,
        %get3A_140 = arith.index_cast %add3A_129 : i32 to index
        %get3A_141 = arith.constant 16 : index
        %get3A_142 = tpu.vector_load %arg15[%get3A_140, %get3A_141] {strides = array<i32>} : memref<96x128xf32, #tpu.memory_space<vmem>>, vector<16xf32>,
        %mul3A_143 = arith.mulf %get3A_142, %gather3A_132 : vector<16xf32>
        %swap3A_144 = arith.index_cast %add3A_129 : i32 to index
        %swap3A_145 = arith.constant 16 : index
        %swap3A_146 = tpu.vector_load %arg15[%swap3A_144, %swap3A_145] {strides = array<i32>} : memref<96x128xf32, #tpu.memory_space<vmem>>, vector<16xf32>,
        tpu.vector_store %arg15[%swap3A_144, %swap3A_145], %mul3A_143 {strides = array<i32>} : memref<96x128xf32, #tpu.memory_space<vmem>>, vector<16xf32>,
        %get3A_147 = arith.index_cast %add3A_129 : i32 to index
        %get3A_148 = arith.constant 32 : index
        %get3A_149 = tpu.vector_load %arg15[%get3A_147, %get3A_148] {strides = array<i32>} : memref<96x128xf32, #tpu.memory_space<vmem>>, vector<16xf32>,
        %mul3A_150 = arith.mulf %get3A_149, %gather3A_132 : vector<16xf32>
        %swap3A_151 = arith.index_cast %add3A_129 : i32 to index
        %swap3A_152 = arith.constant 32 : index
        %swap3A_153 = tpu.vector_load %arg15[%swap3A_151, %swap3A_152] {strides = array<i32>} : memref<96x128xf32, #tpu.memory_space<vmem>>, vector<16xf32>,
        tpu.vector_store %arg15[%swap3A_151, %swap3A_152], %mul3A_150 {strides = array<i32>} : memref<96x128xf32, #tpu.memory_space<vmem>>, vector<16xf32>,
        %get3A_154 = arith.index_cast %add3A_129 : i32 to index
        %get3A_155 = arith.constant 48 : index
        %get3A_156 = tpu.vector_load %arg15[%get3A_154, %get3A_155] {strides = array<i32>} : memref<96x128xf32, #tpu.memory_space<vmem>>, vector<16xf32>,
        %mul3A_157 = arith.mulf %get3A_156, %gather3A_132 : vector<16xf32>
        %swap3A_158 = arith.index_cast %add3A_129 : i32 to index
        %swap3A_159 = arith.constant 48 : index
        %swap3A_160 = tpu.vector_load %arg15[%swap3A_158, %swap3A_159] {strides = array<i32>} : memref<96x128xf32, #tpu.memory_space<vmem>>, vector<16xf32>,
        tpu.vector_store %arg15[%swap3A_158, %swap3A_159], %mul3A_157 {strides = array<i32>} : memref<96x128xf32, #tpu.memory_space<vmem>>, vector<16xf32>,
        %get3A_161 = arith.index_cast %add3A_129 : i32 to index
        %get3A_162 = arith.constant 64 : index
        %get3A_163 = tpu.vector_load %arg15[%get3A_161, %get3A_162] {strides = array<i32>} : memref<96x128xf32, #tpu.memory_space<vmem>>, vector<16xf32>,
        %mul3A_164 = arith.mulf %get3A_163, %gather3A_132 : vector<16xf32>
        %swap3A_165 = arith.index_cast %add3A_129 : i32 to index
        %swap3A_166 = arith.constant 64 : index
        %swap3A_167 = tpu.vector_load %arg15[%swap3A_165, %swap3A_166] {strides = array<i32>} : memref<96x128xf32, #tpu.memory_space<vmem>>, vector<16xf32>,
        tpu.vector_store %arg15[%swap3A_165, %swap3A_166], %mul3A_164 {strides = array<i32>} : memref<96x128xf32, #tpu.memory_space<vmem>>, vector<16xf32>,
        %get3A_168 = arith.index_cast %add3A_129 : i32 to index
        %get3A_169 = arith.constant 80 : index
        %get3A_170 = tpu.vector_load %arg15[%get3A_168, %get3A_169] {strides = array<i32>} : memref<96x128xf32, #tpu.memory_space<vmem>>, vector<16xf32>,
        %mul3A_171 = arith.mulf %get3A_170, %gather3A_132 : vector<16xf32>
        %swap3A_172 = arith.index_cast %add3A_129 : i32 to index
        %swap3A_173 = arith.constant 80 : index
        %swap3A_174 = tpu.vector_load %arg15[%swap3A_172, %swap3A_173] {strides = array<i32>} : memref<96x128xf32, #tpu.memory_space<vmem>>, vector<16xf32>,
        tpu.vector_store %arg15[%swap3A_172, %swap3A_173], %mul3A_171 {strides = array<i32>} : memref<96x128xf32, #tpu.memory_space<vmem>>, vector<16xf32>,
        %get3A_175 = arith.index_cast %add3A_129 : i32 to index
        %get3A_176 = arith.constant 96 : index
        %get3A_177 = tpu.vector_load %arg15[%get3A_175, %get3A_176] {strides = array<i32>} : memref<96x128xf32, #tpu.memory_space<vmem>>, vector<16xf32>,
        %mul3A_178 = arith.mulf %get3A_177, %gather3A_132 : vector<16xf32>
        %swap3A_179 = arith.index_cast %add3A_129 : i32 to index
        %swap3A_180 = arith.constant 96 : index
        %swap3A_181 = tpu.vector_load %arg15[%swap3A_179, %swap3A_180] {strides = array<i32>} : memref<96x128xf32, #tpu.memory_space<vmem>>, vector<16xf32>,
        tpu.vector_store %arg15[%swap3A_179, %swap3A_180], %mul3A_178 {strides = array<i32>} : memref<96x128xf32, #tpu.memory_space<vmem>>, vector<16xf32>,
        %get3A_182 = arith.index_cast %add3A_129 : i32 to index
        %get3A_183 = arith.constant 112 : index
        %get3A_184 = tpu.vector_load %arg15[%get3A_182, %get3A_183] {strides = array<i32>} : memref<96x128xf32, #tpu.memory_space<vmem>>, vector<16xf32>,
        %mul3A_185 = arith.mulf %get3A_184, %gather3A_132 : vector<16xf32>
        %swap3A_186 = arith.index_cast %add3A_129 : i32 to index
        %swap3A_187 = arith.constant 112 : index
        %swap3A_188 = tpu.vector_load %arg15[%swap3A_186, %swap3A_187] {strides = array<i32>} : memref<96x128xf32, #tpu.memory_space<vmem>>, vector<16xf32>,
        tpu.vector_store %arg15[%swap3A_186, %swap3A_187], %mul3A_185 {strides = array<i32>} : memref<96x128xf32, #tpu.memory_space<vmem>>, vector<16xf32>,
        %mul3A_189 = arith.constant 4 : i32
        %mul3A_190 = arith.muli %scan3A_65, %mul3A_189 : i32
        %add3A_191 = arith.constant 2 : i32
        %add3A_192 = arith.addi %mul3A_190, %add3A_191 : i32
        %add3A_193 = vector.broadcast %add3A_192 : i32 to vector<16xi32>
        %add3A_194 = arith.addi %broadcast_in_dim3A_3, %add3A_193 : vector<16xi32>
        %gather3A_195 = tpu.vector_load_idx %arg13[%add3A_194] : memref<96xf32, #tpu.memory_space<vmem>>[vector<16xi32>], vector<16xf32>,
        %get3A_196 = arith.index_cast %add3A_192 : i32 to index
        %get3A_197 = arith.constant 0 : index
        %get3A_198 = tpu.vector_load %arg15[%get3A_196, %get3A_197] {strides = array<i32>} : memref<96x128xf32, #tpu.memory_space<vmem>>, vector<16xf32>,
        %mul3A_199 = arith.mulf %get3A_198, %gather3A_195 : vector<16xf32>
        %swap3A_200 = arith.index_cast %add3A_192 : i32 to index
        %swap3A_201 = arith.constant 0 : index
        %swap3A_202 = tpu.vector_load %arg15[%swap3A_200, %swap3A_201] {strides = array<i32>} : memref<96x128xf32, #tpu.memory_space<vmem>>, vector<16xf32>,
        tpu.vector_store %arg15[%swap3A_200, %swap3A_201], %mul3A_199 {strides = array<i32>} : memref<96x128xf32, #tpu.memory_space<vmem>>, vector<16xf32>,
        %get3A_203 = arith.index_cast %add3A_192 : i32 to index
        %get3A_204 = arith.constant 16 : index
        %get3A_205 = tpu.vector_load %arg15[%get3A_203, %get3A_204] {strides = array<i32>} : memref<96x128xf32, #tpu.memory_space<vmem>>, vector<16xf32>,
        %mul3A_206 = arith.mulf %get3A_205, %gather3A_195 : vector<16xf32>
        %swap3A_207 = arith.index_cast %add3A_192 : i32 to index
        %swap3A_208 = arith.constant 16 : index
        %swap3A_209 = tpu.vector_load %arg15[%swap3A_207, %swap3A_208] {strides = array<i32>} : memref<96x128xf32, #tpu.memory_space<vmem>>, vector<16xf32>,
        tpu.vector_store %arg15[%swap3A_207, %swap3A_208], %mul3A_206 {strides = array<i32>} : memref<96x128xf32, #tpu.memory_space<vmem>>, vector<16xf32>,
        %get3A_210 = arith.index_cast %add3A_192 : i32 to index
        %get3A_211 = arith.constant 32 : index
        %get3A_212 = tpu.vector_load %arg15[%get3A_210, %get3A_211] {strides = array<i32>} : memref<96x128xf32, #tpu.memory_space<vmem>>, vector<16xf32>,
        %mul3A_213 = arith.mulf %get3A_212, %gather3A_195 : vector<16xf32>
        %swap3A_214 = arith.index_cast %add3A_192 : i32 to index
        %swap3A_215 = arith.constant 32 : index
        %swap3A_216 = tpu.vector_load %arg15[%swap3A_214, %swap3A_215] {strides = array<i32>} : memref<96x128xf32, #tpu.memory_space<vmem>>, vector<16xf32>,
        tpu.vector_store %arg15[%swap3A_214, %swap3A_215], %mul3A_213 {strides = array<i32>} : memref<96x128xf32, #tpu.memory_space<vmem>>, vector<16xf32>,
        %get3A_217 = arith.index_cast %add3A_192 : i32 to index
        %get3A_218 = arith.constant 48 : index
        %get3A_219 = tpu.vector_load %arg15[%get3A_217, %get3A_218] {strides = array<i32>} : memref<96x128xf32, #tpu.memory_space<vmem>>, vector<16xf32>,
        %mul3A_220 = arith.mulf %get3A_219, %gather3A_195 : vector<16xf32>
        %swap3A_221 = arith.index_cast %add3A_192 : i32 to index
        %swap3A_222 = arith.constant 48 : index
        %swap3A_223 = tpu.vector_load %arg15[%swap3A_221, %swap3A_222] {strides = array<i32>} : memref<96x128xf32, #tpu.memory_space<vmem>>, vector<16xf32>,
        tpu.vector_store %arg15[%swap3A_221, %swap3A_222], %mul3A_220 {strides = array<i32>} : memref<96x128xf32, #tpu.memory_space<vmem>>, vector<16xf32>,
        %get3A_224 = arith.index_cast %add3A_192 : i32 to index
        %get3A_225 = arith.constant 64 : index
        %get3A_226 = tpu.vector_load %arg15[%get3A_224, %get3A_225] {strides = array<i32>} : memref<96x128xf32, #tpu.memory_space<vmem>>, vector<16xf32>,
        %mul3A_227 = arith.mulf %get3A_226, %gather3A_195 : vector<16xf32>
        %swap3A_228 = arith.index_cast %add3A_192 : i32 to index
        %swap3A_229 = arith.constant 64 : index
        %swap3A_230 = tpu.vector_load %arg15[%swap3A_228, %swap3A_229] {strides = array<i32>} : memref<96x128xf32, #tpu.memory_space<vmem>>, vector<16xf32>,
        tpu.vector_store %arg15[%swap3A_228, %swap3A_229], %mul3A_227 {strides = array<i32>} : memref<96x128xf32, #tpu.memory_space<vmem>>, vector<16xf32>,
        %get3A_231 = arith.index_cast %add3A_192 : i32 to index
        %get3A_232 = arith.constant 80 : index
        %get3A_233 = tpu.vector_load %arg15[%get3A_231, %get3A_232] {strides = array<i32>} : memref<96x128xf32, #tpu.memory_space<vmem>>, vector<16xf32>,
        %mul3A_234 = arith.mulf %get3A_233, %gather3A_195 : vector<16xf32>
        %swap3A_235 = arith.index_cast %add3A_192 : i32 to index
        %swap3A_236 = arith.constant 80 : index
        %swap3A_237 = tpu.vector_load %arg15[%swap3A_235, %swap3A_236] {strides = array<i32>} : memref<96x128xf32, #tpu.memory_space<vmem>>, vector<16xf32>,
        tpu.vector_store %arg15[%swap3A_235, %swap3A_236], %mul3A_234 {strides = array<i32>} : memref<96x128xf32, #tpu.memory_space<vmem>>, vector<16xf32>,
        %get3A_238 = arith.index_cast %add3A_192 : i32 to index
        %get3A_239 = arith.constant 96 : index
        %get3A_240 = tpu.vector_load %arg15[%get3A_238, %get3A_239] {strides = array<i32>} : memref<96x128xf32, #tpu.memory_space<vmem>>, vector<16xf32>,
        %mul3A_241 = arith.mulf %get3A_240, %gather3A_195 : vector<16xf32>
        %swap3A_242 = arith.index_cast %add3A_192 : i32 to index
        %swap3A_243 = arith.constant 96 : index
        %swap3A_244 = tpu.vector_load %arg15[%swap3A_242, %swap3A_243] {strides = array<i32>} : memref<96x128xf32, #tpu.memory_space<vmem>>, vector<16xf32>,
        tpu.vector_store %arg15[%swap3A_242, %swap3A_243], %mul3A_241 {strides = array<i32>} : memref<96x128xf32, #tpu.memory_space<vmem>>, vector<16xf32>,
        %get3A_245 = arith.index_cast %add3A_192 : i32 to index
        %get3A_246 = arith.constant 112 : index
        %get3A_247 = tpu.vector_load %arg15[%get3A_245, %get3A_246] {strides = array<i32>} : memref<96x128xf32, #tpu.memory_space<vmem>>, vector<16xf32>,
        %mul3A_248 = arith.mulf %get3A_247, %gather3A_195 : vector<16xf32>
        %swap3A_249 = arith.index_cast %add3A_192 : i32 to index
        %swap3A_250 = arith.constant 112 : index
        %swap3A_251 = tpu.vector_load %arg15[%swap3A_249, %swap3A_250] {strides = array<i32>} : memref<96x128xf32, #tpu.memory_space<vmem>>, vector<16xf32>,
        tpu.vector_store %arg15[%swap3A_249, %swap3A_250], %mul3A_248 {strides = array<i32>} : memref<96x128xf32, #tpu.memory_space<vmem>>, vector<16xf32>,
        %mul3A_252 = arith.constant 4 : i32
        %mul3A_253 = arith.muli %scan3A_65, %mul3A_252 : i32
        %add3A_254 = arith.constant 3 : i32
        %add3A_255 = arith.addi %mul3A_253, %add3A_254 : i32
        %add3A_256 = vector.broadcast %add3A_255 : i32 to vector<16xi32>
        %add3A_257 = arith.addi %broadcast_in_dim3A_3, %add3A_256 : vector<16xi32>
        %gather3A_258 = tpu.vector_load_idx %arg13[%add3A_257] : memref<96xf32, #tpu.memory_space<vmem>>[vector<16xi32>], vector<16xf32>,
        %get3A_259 = arith.index_cast %add3A_255 : i32 to index
        %get3A_260 = arith.constant 0 : index
        %get3A_261 = tpu.vector_load %arg15[%get3A_259, %get3A_260] {strides = array<i32>} : memref<96x128xf32, #tpu.memory_space<vmem>>, vector<16xf32>,
        %mul3A_262 = arith.mulf %get3A_261, %gather3A_258 : vector<16xf32>
        %swap3A_263 = arith.index_cast %add3A_255 : i32 to index
        %swap3A_264 = arith.constant 0 : index
        %swap3A_265 = tpu.vector_load %arg15[%swap3A_263, %swap3A_264] {strides = array<i32>} : memref<96x128xf32, #tpu.memory_space<vmem>>, vector<16xf32>,
        tpu.vector_store %arg15[%swap3A_263, %swap3A_264], %mul3A_262 {strides = array<i32>} : memref<96x128xf32, #tpu.memory_space<vmem>>, vector<16xf32>,
        %get3A_266 = arith.index_cast %add3A_255 : i32 to index
        %get3A_267 = arith.constant 16 : index
        %get3A_268 = tpu.vector_load %arg15[%get3A_266, %get3A_267] {strides = array<i32>} : memref<96x128xf32, #tpu.memory_space<vmem>>, vector<16xf32>,
        %mul3A_269 = arith.mulf %get3A_268, %gather3A_258 : vector<16xf32>
        %swap3A_270 = arith.index_cast %add3A_255 : i32 to index
        %swap3A_271 = arith.constant 16 : index
        %swap3A_272 = tpu.vector_load %arg15[%swap3A_270, %swap3A_271] {strides = array<i32>} : memref<96x128xf32, #tpu.memory_space<vmem>>, vector<16xf32>,
        tpu.vector_store %arg15[%swap3A_270, %swap3A_271], %mul3A_269 {strides = array<i32>} : memref<96x128xf32, #tpu.memory_space<vmem>>, vector<16xf32>,
        %get3A_273 = arith.index_cast %add3A_255 : i32 to index
        %get3A_274 = arith.constant 32 : index
        %get3A_275 = tpu.vector_load %arg15[%get3A_273, %get3A_274] {strides = array<i32>} : memref<96x128xf32, #tpu.memory_space<vmem>>, vector<16xf32>,
        %mul3A_276 = arith.mulf %get3A_275, %gather3A_258 : vector<16xf32>
        %swap3A_277 = arith.index_cast %add3A_255 : i32 to index
        %swap3A_278 = arith.constant 32 : index
        %swap3A_279 = tpu.vector_load %arg15[%swap3A_277, %swap3A_278] {strides = array<i32>} : memref<96x128xf32, #tpu.memory_space<vmem>>, vector<16xf32>,
        tpu.vector_store %arg15[%swap3A_277, %swap3A_278], %mul3A_276 {strides = array<i32>} : memref<96x128xf32, #tpu.memory_space<vmem>>, vector<16xf32>,
        %get3A_280 = arith.index_cast %add3A_255 : i32 to index
        %get3A_281 = arith.constant 48 : index
        %get3A_282 = tpu.vector_load %arg15[%get3A_280, %get3A_281] {strides = array<i32>} : memref<96x128xf32, #tpu.memory_space<vmem>>, vector<16xf32>,
        %mul3A_283 = arith.mulf %get3A_282, %gather3A_258 : vector<16xf32>
        %swap3A_284 = arith.index_cast %add3A_255 : i32 to index
        %swap3A_285 = arith.constant 48 : index
        %swap3A_286 = tpu.vector_load %arg15[%swap3A_284, %swap3A_285] {strides = array<i32>} : memref<96x128xf32, #tpu.memory_space<vmem>>, vector<16xf32>,
        tpu.vector_store %arg15[%swap3A_284, %swap3A_285], %mul3A_283 {strides = array<i32>} : memref<96x128xf32, #tpu.memory_space<vmem>>, vector<16xf32>,
        %get3A_287 = arith.index_cast %add3A_255 : i32 to index
        %get3A_288 = arith.constant 64 : index
        %get3A_289 = tpu.vector_load %arg15[%get3A_287, %get3A_288] {strides = array<i32>} : memref<96x128xf32, #tpu.memory_space<vmem>>, vector<16xf32>,
        %mul3A_290 = arith.mulf %get3A_289, %gather3A_258 : vector<16xf32>
        %swap3A_291 = arith.index_cast %add3A_255 : i32 to index
        %swap3A_292 = arith.constant 64 : index
        %swap3A_293 = tpu.vector_load %arg15[%swap3A_291, %swap3A_292] {strides = array<i32>} : memref<96x128xf32, #tpu.memory_space<vmem>>, vector<16xf32>,
        tpu.vector_store %arg15[%swap3A_291, %swap3A_292], %mul3A_290 {strides = array<i32>} : memref<96x128xf32, #tpu.memory_space<vmem>>, vector<16xf32>,
        %get3A_294 = arith.index_cast %add3A_255 : i32 to index
        %get3A_295 = arith.constant 80 : index
        %get3A_296 = tpu.vector_load %arg15[%get3A_294, %get3A_295] {strides = array<i32>} : memref<96x128xf32, #tpu.memory_space<vmem>>, vector<16xf32>,
        %mul3A_297 = arith.mulf %get3A_296, %gather3A_258 : vector<16xf32>
        %swap3A_298 = arith.index_cast %add3A_255 : i32 to index
        %swap3A_299 = arith.constant 80 : index
        %swap3A_300 = tpu.vector_load %arg15[%swap3A_298, %swap3A_299] {strides = array<i32>} : memref<96x128xf32, #tpu.memory_space<vmem>>, vector<16xf32>,
        tpu.vector_store %arg15[%swap3A_298, %swap3A_299], %mul3A_297 {strides = array<i32>} : memref<96x128xf32, #tpu.memory_space<vmem>>, vector<16xf32>,
        %get3A_301 = arith.index_cast %add3A_255 : i32 to index
        %get3A_302 = arith.constant 96 : index
        %get3A_303 = tpu.vector_load %arg15[%get3A_301, %get3A_302] {strides = array<i32>} : memref<96x128xf32, #tpu.memory_space<vmem>>, vector<16xf32>,
        %mul3A_304 = arith.mulf %get3A_303, %gather3A_258 : vector<16xf32>
        %swap3A_305 = arith.index_cast %add3A_255 : i32 to index
        %swap3A_306 = arith.constant 96 : index
        %swap3A_307 = tpu.vector_load %arg15[%swap3A_305, %swap3A_306] {strides = array<i32>} : memref<96x128xf32, #tpu.memory_space<vmem>>, vector<16xf32>,
        tpu.vector_store %arg15[%swap3A_305, %swap3A_306], %mul3A_304 {strides = array<i32>} : memref<96x128xf32, #tpu.memory_space<vmem>>, vector<16xf32>,
        %get3A_308 = arith.index_cast %add3A_255 : i32 to index
        %get3A_309 = arith.constant 112 : index
        %get3A_310 = tpu.vector_load %arg15[%get3A_308, %get3A_309] {strides = array<i32>} : memref<96x128xf32, #tpu.memory_space<vmem>>, vector<16xf32>,
        %mul3A_311 = arith.mulf %get3A_310, %gather3A_258 : vector<16xf32>
        %swap3A_312 = arith.index_cast %add3A_255 : i32 to index
        %swap3A_313 = arith.constant 112 : index
        %swap3A_314 = tpu.vector_load %arg15[%swap3A_312, %swap3A_313] {strides = array<i32>} : memref<96x128xf32, #tpu.memory_space<vmem>>, vector<16xf32>,
        tpu.vector_store %arg15[%swap3A_312, %swap3A_313], %mul3A_311 {strides = array<i32>} : memref<96x128xf32, #tpu.memory_space<vmem>>, vector<16xf32>,
      }
      %scan3A_59 = arith.constant 24 : i32
      %dma_start3A_60 = arith.constant 0 : i32
      %dma_start3A_61 = arith.constant 0 : i32
      %dma_start3A_62 = tpu.memref_slice %arg16[%dma_start3A_60, %dma_start3A_61] : memref<10112x128xf32, #tpu.memory_space<vmem_shared>> -> memref<10112x128xf32, #tpu.memory_space<vmem_shared>>
      tpu.enqueue_indirect_dma source(%arg15 : memref<96x128xf32, #tpu.memory_space<vmem>>) target(%dma_start3A_62 : memref<10112x128xf32, #tpu.memory_space<vmem_shared>>) offsets(%arg11 : memref<96xi32, #tpu.memory_space<vmem>>) semaphore(%arg20 : memref<!tpu.dma_semaphore, #tpu.memory_space<semaphore_mem>>) {add = true}
      %lt3A = arith.constant 53 : i32
      %lt3A_63 = arith.cmpi slt, %scan3A_26, %lt3A : i32
      %convert_element_type3A = arith.extui %lt3A_63 : i1 to i32
      %cond3A = arith.constant 0 : i32
      %cond3A_64 = arith.cmpi ne, %convert_element_type3A, %cond3A : i32
      scf.if %cond3A_64 {
        %dma_wait3A_65 = arith.constant 0 : i32
        %dma_wait3A_66 = arith.constant 0 : i32
        %dma_wait3A_67 = tpu.memref_slice %arg16[%dma_wait3A_65, %dma_wait3A_66] : memref<10112x128xf32, #tpu.memory_space<vmem_shared>> -> memref<10112x128xf32, #tpu.memory_space<vmem_shared>>
        tpu.wait_indirect_dma semaphore(%arg19 : memref<!tpu.dma_semaphore, #tpu.memory_space<semaphore_mem>>) src(%arg14 : memref<96x128xf32, #tpu.memory_space<vmem>>) dst(%dma_wait3A_67 : memref<10112x128xf32, #tpu.memory_space<vmem_shared>>)
        %mul3A_68 = arith.constant 2 : i32
        %mul3A_69 = arith.muli %mul3A_68, %scan3A_26 : i32
        %add3A_70 = arith.constant 2 : i32
        %add3A_71 = arith.addi %mul3A_69, %add3A_70 : i32
        %mul3A_72 = arith.constant 96 : i32
        %mul3A_73 = arith.muli %add3A_71, %mul3A_72 : i32
        %add3A_74 = arith.addi %mul3A_5, %mul3A_73 : i32
        "tpu.region"() ({
          %run_scoped3A = tpu.sem_alloc : memref<!tpu.dma_semaphore, #tpu.memory_space<semaphore_mem>>
          %dma_start3A_91 = tpu.memref_slice %arg2[%add3A_74] : memref<331776xi32, #tpu.memory_space<hbm>> -> memref<96xi32, #tpu.memory_space<hbm>>
          %dma_start3A_92 = tpu.memref_slice %arg2[%add3A_74] : memref<331776xi32, #tpu.memory_space<hbm>> -> memref<96xi32, #tpu.memory_space<hbm>>
          tpu.enqueue_dma source(%dma_start3A_92 : memref<96xi32, #tpu.memory_space<hbm>>) target(%arg8 : memref<96xi32, #tpu.memory_space<vmem>>) target_semaphore(%run_scoped3A : memref<!tpu.dma_semaphore, #tpu.memory_space<semaphore_mem>>)
          %dma_wait3A_93 = tpu.memref_slice %arg2[%add3A_74] : memref<331776xi32, #tpu.memory_space<hbm>> -> memref<96xi32, #tpu.memory_space<hbm>>
          %dma_wait3A_94 = tpu.memref_slice %arg2[%add3A_74] : memref<331776xi32, #tpu.memory_space<hbm>> -> memref<96xi32, #tpu.memory_space<hbm>>
          tpu.wait_dma2 semaphore(%run_scoped3A : memref<!tpu.dma_semaphore, #tpu.memory_space<semaphore_mem>>) src(%dma_wait3A_94 : memref<96xi32, #tpu.memory_space<hbm>>) dst(%arg8 : memref<96xi32, #tpu.memory_space<vmem>>)
          tpu.yield
        }) : () -> ()
        %dma_start3A_75 = arith.constant 0 : i32
        %dma_start3A_76 = arith.constant 0 : i32
        %dma_start3A_77 = tpu.memref_slice %arg4[%dma_start3A_75, %dma_start3A_76] : memref<10000x128xf32, #tpu.memory_space<hbm>> -> memref<10000x128xf32, #tpu.memory_space<hbm>>
        tpu.enqueue_indirect_dma source(%dma_start3A_77 : memref<10000x128xf32, #tpu.memory_space<hbm>>) target(%arg14 : memref<96x128xf32, #tpu.memory_space<vmem>>) offsets(%arg8 : memref<96xi32, #tpu.memory_space<vmem>>) semaphore(%arg17 : memref<!tpu.dma_semaphore, #tpu.memory_space<semaphore_mem>>)
        %dma_wait3A_78 = arith.constant 0 : i32
        %dma_wait3A_79 = arith.constant 0 : i32
        %dma_wait3A_80 = tpu.memref_slice %arg16[%dma_wait3A_78, %dma_wait3A_79] : memref<10112x128xf32, #tpu.memory_space<vmem_shared>> -> memref<10112x128xf32, #tpu.memory_space<vmem_shared>>
        tpu.wait_indirect_dma semaphore(%arg20 : memref<!tpu.dma_semaphore, #tpu.memory_space<semaphore_mem>>) src(%arg15 : memref<96x128xf32, #tpu.memory_space<vmem>>) dst(%dma_wait3A_80 : memref<10112x128xf32, #tpu.memory_space<vmem_shared>>)
        %mul3A_81 = arith.constant 2 : i32
        %mul3A_82 = arith.muli %mul3A_81, %scan3A_26 : i32
        %add3A_83 = arith.constant 3 : i32
        %add3A_84 = arith.addi %mul3A_82, %add3A_83 : i32
        %mul3A_85 = arith.constant 96 : i32
        %mul3A_86 = arith.muli %add3A_84, %mul3A_85 : i32
        %add3A_87 = arith.addi %mul3A_5, %mul3A_86 : i32
        "tpu.region"() ({
          %run_scoped3A = tpu.sem_alloc : memref<!tpu.dma_semaphore, #tpu.memory_space<semaphore_mem>>
          %dma_start3A_91 = tpu.memref_slice %arg2[%add3A_87] : memref<331776xi32, #tpu.memory_space<hbm>> -> memref<96xi32, #tpu.memory_space<hbm>>
          %dma_start3A_92 = tpu.memref_slice %arg2[%add3A_87] : memref<331776xi32, #tpu.memory_space<hbm>> -> memref<96xi32, #tpu.memory_space<hbm>>
          tpu.enqueue_dma source(%dma_start3A_92 : memref<96xi32, #tpu.memory_space<hbm>>) target(%arg9 : memref<96xi32, #tpu.memory_space<vmem>>) target_semaphore(%run_scoped3A : memref<!tpu.dma_semaphore, #tpu.memory_space<semaphore_mem>>)
          %dma_wait3A_93 = tpu.memref_slice %arg2[%add3A_87] : memref<331776xi32, #tpu.memory_space<hbm>> -> memref<96xi32, #tpu.memory_space<hbm>>
          %dma_wait3A_94 = tpu.memref_slice %arg2[%add3A_87] : memref<331776xi32, #tpu.memory_space<hbm>> -> memref<96xi32, #tpu.memory_space<hbm>>
          tpu.wait_dma2 semaphore(%run_scoped3A : memref<!tpu.dma_semaphore, #tpu.memory_space<semaphore_mem>>) src(%dma_wait3A_94 : memref<96xi32, #tpu.memory_space<hbm>>) dst(%arg9 : memref<96xi32, #tpu.memory_space<vmem>>)
          tpu.yield
        }) : () -> ()
        %dma_start3A_88 = arith.constant 0 : i32
        %dma_start3A_89 = arith.constant 0 : i32
        %dma_start3A_90 = tpu.memref_slice %arg4[%dma_start3A_88, %dma_start3A_89] : memref<10000x128xf32, #tpu.memory_space<hbm>> -> memref<10000x128xf32, #tpu.memory_space<hbm>>
        tpu.enqueue_indirect_dma source(%dma_start3A_90 : memref<10000x128xf32, #tpu.memory_space<hbm>>) target(%arg15 : memref<96x128xf32, #tpu.memory_space<vmem>>) offsets(%arg9 : memref<96xi32, #tpu.memory_space<vmem>>) semaphore(%arg18 : memref<!tpu.dma_semaphore, #tpu.memory_space<semaphore_mem>>)
      } else {
      }
    }
    %scan3A_19 = arith.constant 54 : i32
    %dma_wait3A = arith.constant 0 : i32
    %dma_wait3A_20 = arith.constant 0 : i32
    %dma_wait3A_21 = tpu.memref_slice %arg16[%dma_wait3A, %dma_wait3A_20] : memref<10112x128xf32, #tpu.memory_space<vmem_shared>> -> memref<10112x128xf32, #tpu.memory_space<vmem_shared>>
    tpu.wait_indirect_dma semaphore(%arg19 : memref<!tpu.dma_semaphore, #tpu.memory_space<semaphore_mem>>) src(%arg14 : memref<96x128xf32, #tpu.memory_space<vmem>>) dst(%dma_wait3A_21 : memref<10112x128xf32, #tpu.memory_space<vmem_shared>>)
    %dma_wait3A_22 = arith.constant 0 : i32
    %dma_wait3A_23 = arith.constant 0 : i32
    %dma_wait3A_24 = tpu.memref_slice %arg16[%dma_wait3A_22, %dma_wait3A_23] : memref<10112x128xf32, #tpu.memory_space<vmem_shared>> -> memref<10112x128xf32, #tpu.memory_space<vmem_shared>>
    tpu.wait_indirect_dma semaphore(%arg20 : memref<!tpu.dma_semaphore, #tpu.memory_space<semaphore_mem>>) src(%arg15 : memref<96x128xf32, #tpu.memory_space<vmem>>) dst(%dma_wait3A_24 : memref<10112x128xf32, #tpu.memory_space<vmem_shared>>)
    %barrier3A_25 = arith.constant 0 : index
    tpu.barrier barrier_id(%barrier3A_25)
    "tpu.region"() ({
      %run_scoped3A = tpu.sem_alloc : memref<!tpu.dma_semaphore, #tpu.memory_space<semaphore_mem>>
      %dma_start3A_26 = arith.constant 0 : i32
      %dma_start3A_27 = tpu.memref_slice %arg7[%arg0, %mul3A_2, %dma_start3A_26] : memref<2x10112x128xf32, #tpu.memory_space<hbm>> -> memref<1x632x128xf32, #tpu.memory_space<hbm>>
      %dma_start3A_28 = tpu.memref_squeeze %dma_start3A_27 : memref<1x632x128xf32, #tpu.memory_space<hbm>> -> memref<632x128xf32, #tpu.memory_space<hbm>>
      %dma_start3A_29 = arith.constant 0 : i32
      %dma_start3A_30 = tpu.memref_slice %arg16[%mul3A_2, %dma_start3A_29] : memref<10112x128xf32, #tpu.memory_space<vmem_shared>> -> memref<632x128xf32, #tpu.memory_space<vmem_shared>>
      tpu.enqueue_dma source(%dma_start3A_30 : memref<632x128xf32, #tpu.memory_space<vmem_shared>>) target(%dma_start3A_28 : memref<632x128xf32, #tpu.memory_space<hbm>>) target_semaphore(%run_scoped3A : memref<!tpu.dma_semaphore, #tpu.memory_space<semaphore_mem>>)
      %dma_wait3A_31 = arith.constant 0 : i32
      %dma_wait3A_32 = tpu.memref_slice %arg7[%arg0, %mul3A_2, %dma_wait3A_31] : memref<2x10112x128xf32, #tpu.memory_space<hbm>> -> memref<1x632x128xf32, #tpu.memory_space<hbm>>
      %dma_wait3A_33 = tpu.memref_squeeze %dma_wait3A_32 : memref<1x632x128xf32, #tpu.memory_space<hbm>> -> memref<632x128xf32, #tpu.memory_space<hbm>>
      %dma_wait3A_34 = arith.constant 0 : i32
      %dma_wait3A_35 = tpu.memref_slice %arg16[%mul3A_2, %dma_wait3A_34] : memref<10112x128xf32, #tpu.memory_space<vmem_shared>> -> memref<632x128xf32, #tpu.memory_space<vmem_shared>>
      tpu.wait_dma2 semaphore(%run_scoped3A : memref<!tpu.dma_semaphore, #tpu.memory_space<semaphore_mem>>) src(%dma_wait3A_35 : memref<632x128xf32, #tpu.memory_space<vmem_shared>>) dst(%dma_wait3A_33 : memref<632x128xf32, #tpu.memory_space<hbm>>)
      tpu.yield
    }) : () -> ()
    return
  }
}

#map = affine_map<(d0, d1) -> (0)>
#map1 = affine_map<(d0, d1) -> (0, 0)>
#map2 = affine_map<(d0, d1) -> (0, 0, 0)>
module attributes {stable_mosaic.version = 14 : i64} {
  func.func @_logit_body(%arg0: i32, %arg1: i32, %arg2: memref<331776xi32, #tpu.memory_space<hbm>>, %arg3: memref<331776xi32, #tpu.memory_space<hbm>>, %arg4: memref<10000xf32, #tpu.memory_space<hbm>>, %arg5: memref<10000xf32, #tpu.memory_space<hbm>>, %arg6: memref<16xf32, #tpu.memory_space<hbm>>, %arg7: memref<632x128xf32, #tpu.memory_space<hbm>>, %arg8: memref<331776xf32, #tpu.memory_space<hbm>>, %arg9: memref<2x1280x128xf32, #tpu.memory_space<hbm>>, %arg10: memref<10000xf32, #tpu.memory_space<vmem>>, %arg11: memref<10000xf32, #tpu.memory_space<vmem>>, %arg12: memref<16xf32, #tpu.memory_space<vmem>>, %arg13: memref<96xi32, #tpu.memory_space<vmem>>, %arg14: memref<96xi32, #tpu.memory_space<vmem>>, %arg15: memref<96xi32, #tpu.memory_space<vmem>>, %arg16: memref<96xi32, #tpu.memory_space<vmem>>, %arg17: memref<10368xf32, #tpu.memory_space<vmem>>, %arg18: memref<96x128xf32, #tpu.memory_space<vmem>>, %arg19: memref<1280x128xf32, #tpu.memory_space<vmem_shared>>) attributes {dimension_semantics = [#tpu.dimension_semantics<core_parallel>, #tpu.dimension_semantics<subcore_parallel>], iteration_bounds = array<i64: 2, 16>, scalar_prefetch = 0 : i64, scratch_operands = 10 : i64, tpu.core_type = #tpu.core_type<sc_vector_subcore>, window_params = [{transform_indices = #map}, {transform_indices = #map}, {transform_indices = #map}, {transform_indices = #map}, {transform_indices = #map}, {transform_indices = #map1}, {transform_indices = #map}, {transform_indices = #map2}]} {
    %mul3A = arith.constant 16 : i32
    %mul3A_0 = arith.muli %arg0, %mul3A : i32
    %add3A = arith.addi %mul3A_0, %arg1 : i32
    "tpu.region"() ({
      %run_scoped3A = tpu.sem_alloc : memref<!tpu.dma_semaphore, #tpu.memory_space<semaphore_mem>>
      tpu.enqueue_dma source(%arg4 : memref<10000xf32, #tpu.memory_space<hbm>>) target(%arg10 : memref<10000xf32, #tpu.memory_space<vmem>>) target_semaphore(%run_scoped3A : memref<!tpu.dma_semaphore, #tpu.memory_space<semaphore_mem>>)
      tpu.wait_dma2 semaphore(%run_scoped3A : memref<!tpu.dma_semaphore, #tpu.memory_space<semaphore_mem>>) src(%arg4 : memref<10000xf32, #tpu.memory_space<hbm>>) dst(%arg10 : memref<10000xf32, #tpu.memory_space<vmem>>)
      tpu.yield
    }) : () -> ()
    "tpu.region"() ({
      %run_scoped3A = tpu.sem_alloc : memref<!tpu.dma_semaphore, #tpu.memory_space<semaphore_mem>>
      tpu.enqueue_dma source(%arg5 : memref<10000xf32, #tpu.memory_space<hbm>>) target(%arg11 : memref<10000xf32, #tpu.memory_space<vmem>>) target_semaphore(%run_scoped3A : memref<!tpu.dma_semaphore, #tpu.memory_space<semaphore_mem>>)
      tpu.wait_dma2 semaphore(%run_scoped3A : memref<!tpu.dma_semaphore, #tpu.memory_space<semaphore_mem>>) src(%arg5 : memref<10000xf32, #tpu.memory_space<hbm>>) dst(%arg11 : memref<10000xf32, #tpu.memory_space<vmem>>)
      tpu.yield
    }) : () -> ()
    "tpu.region"() ({
      %run_scoped3A = tpu.sem_alloc : memref<!tpu.dma_semaphore, #tpu.memory_space<semaphore_mem>>
      tpu.enqueue_dma source(%arg6 : memref<16xf32, #tpu.memory_space<hbm>>) target(%arg12 : memref<16xf32, #tpu.memory_space<vmem>>) target_semaphore(%run_scoped3A : memref<!tpu.dma_semaphore, #tpu.memory_space<semaphore_mem>>)
      tpu.wait_dma2 semaphore(%run_scoped3A : memref<!tpu.dma_semaphore, #tpu.memory_space<semaphore_mem>>) src(%arg6 : memref<16xf32, #tpu.memory_space<hbm>>) dst(%arg12 : memref<16xf32, #tpu.memory_space<vmem>>)
      tpu.yield
    }) : () -> ()
    %mul3A_1 = arith.constant 80 : i32
    %mul3A_2 = arith.muli %arg1, %mul3A_1 : i32
    "tpu.region"() ({
      %run_scoped3A = tpu.sem_alloc : memref<!tpu.dma_semaphore, #tpu.memory_space<semaphore_mem>>
      %dma_start3A = arith.constant 0 : i32
      %dma_start3A_13 = tpu.memref_slice %arg19[%mul3A_2, %dma_start3A] : memref<1280x128xf32, #tpu.memory_space<vmem_shared>> -> memref<80x128xf32, #tpu.memory_space<vmem_shared>>
      %dma_start3A_14 = arith.constant 0 : i32
      %dma_start3A_15 = arith.constant 0 : i32
      %dma_start3A_16 = tpu.memref_slice %arg7[%dma_start3A_14, %dma_start3A_15] : memref<632x128xf32, #tpu.memory_space<hbm>> -> memref<80x128xf32, #tpu.memory_space<hbm>>
      tpu.enqueue_dma source(%dma_start3A_16 : memref<80x128xf32, #tpu.memory_space<hbm>>) target(%dma_start3A_13 : memref<80x128xf32, #tpu.memory_space<vmem_shared>>) target_semaphore(%run_scoped3A : memref<!tpu.dma_semaphore, #tpu.memory_space<semaphore_mem>>)
      %dma_wait3A = arith.constant 0 : i32
      %dma_wait3A_17 = tpu.memref_slice %arg19[%mul3A_2, %dma_wait3A] : memref<1280x128xf32, #tpu.memory_space<vmem_shared>> -> memref<80x128xf32, #tpu.memory_space<vmem_shared>>
      %dma_wait3A_18 = arith.constant 0 : i32
      %dma_wait3A_19 = arith.constant 0 : i32
      %dma_wait3A_20 = tpu.memref_slice %arg7[%dma_wait3A_18, %dma_wait3A_19] : memref<632x128xf32, #tpu.memory_space<hbm>> -> memref<80x128xf32, #tpu.memory_space<hbm>>
      tpu.wait_dma2 semaphore(%run_scoped3A : memref<!tpu.dma_semaphore, #tpu.memory_space<semaphore_mem>>) src(%dma_wait3A_20 : memref<80x128xf32, #tpu.memory_space<hbm>>) dst(%dma_wait3A_17 : memref<80x128xf32, #tpu.memory_space<vmem_shared>>)
      tpu.yield
    }) : () -> ()
    "tpu.region"() ({
      %run_scoped3A = tpu.sem_alloc : memref<!tpu.dma_semaphore, #tpu.memory_space<semaphore_mem>>
      %dma_start3A = arith.constant 0 : i32
      %dma_start3A_13 = arith.constant 0 : i32
      %dma_start3A_14 = tpu.memref_slice %arg7[%dma_start3A, %dma_start3A_13] : memref<632x128xf32, #tpu.memory_space<hbm>> -> memref<96x128xf32, #tpu.memory_space<hbm>>
      %dma_start3A_15 = arith.constant 0 : i32
      %dma_start3A_16 = arith.constant 0 : i32
      %dma_start3A_17 = tpu.memref_slice %arg7[%dma_start3A_15, %dma_start3A_16] : memref<632x128xf32, #tpu.memory_space<hbm>> -> memref<96x128xf32, #tpu.memory_space<hbm>>
      tpu.enqueue_dma source(%dma_start3A_17 : memref<96x128xf32, #tpu.memory_space<hbm>>) target(%arg18 : memref<96x128xf32, #tpu.memory_space<vmem>>) target_semaphore(%run_scoped3A : memref<!tpu.dma_semaphore, #tpu.memory_space<semaphore_mem>>)
      %dma_wait3A = arith.constant 0 : i32
      %dma_wait3A_18 = arith.constant 0 : i32
      %dma_wait3A_19 = tpu.memref_slice %arg7[%dma_wait3A, %dma_wait3A_18] : memref<632x128xf32, #tpu.memory_space<hbm>> -> memref<96x128xf32, #tpu.memory_space<hbm>>
      %dma_wait3A_20 = arith.constant 0 : i32
      %dma_wait3A_21 = arith.constant 0 : i32
      %dma_wait3A_22 = tpu.memref_slice %arg7[%dma_wait3A_20, %dma_wait3A_21] : memref<632x128xf32, #tpu.memory_space<hbm>> -> memref<96x128xf32, #tpu.memory_space<hbm>>
      tpu.wait_dma2 semaphore(%run_scoped3A : memref<!tpu.dma_semaphore, #tpu.memory_space<semaphore_mem>>) src(%dma_wait3A_22 : memref<96x128xf32, #tpu.memory_space<hbm>>) dst(%arg18 : memref<96x128xf32, #tpu.memory_space<vmem>>)
      tpu.yield
    }) : () -> ()
    %get3A = arith.constant 0 : index
    %get3A_3 = tpu.vector_load %arg12[%get3A] {strides = array<i32>} : memref<16xf32, #tpu.memory_space<vmem>>, vector<16xf32>,
    %iota3A = tpu.iota {dimensions = array<i32: 0>} : vector<16xi32>
    %broadcast_in_dim3A = arith.constant 0.000000e+00 : f32
    %broadcast_in_dim3A_4 = vector.broadcast %broadcast_in_dim3A : f32 to vector<16xf32>
    %mul3A_5 = arith.constant 10368 : i32
    %mul3A_6 = arith.muli %add3A, %mul3A_5 : i32
    %barrier3A = arith.constant 0 : index
    tpu.barrier barrier_id(%barrier3A)
    %scan3A = arith.constant 0 : i32
    %scan3A_7 = arith.constant 0 : i32
    %scan3A_8 = arith.constant 108 : i32
    %scan3A_9 = arith.addi %scan3A_7, %scan3A_8 : i32
    %scan3A_10 = arith.constant 1 : i32
    scf.for %scan3A_13 = %scan3A_7 to %scan3A_9 step %scan3A_10  : i32 {
      %mul3A_14 = arith.constant 96 : i32
      %mul3A_15 = arith.muli %scan3A_13, %mul3A_14 : i32
      %add3A_16 = arith.addi %mul3A_6, %mul3A_15 : i32
      "tpu.region"() ({
        %run_scoped3A = tpu.sem_alloc : memref<!tpu.dma_semaphore, #tpu.memory_space<semaphore_mem>>
        %dma_start3A = tpu.memref_slice %arg2[%add3A_16] : memref<331776xi32, #tpu.memory_space<hbm>> -> memref<96xi32, #tpu.memory_space<hbm>>
        %dma_start3A_324 = tpu.memref_slice %arg2[%add3A_16] : memref<331776xi32, #tpu.memory_space<hbm>> -> memref<96xi32, #tpu.memory_space<hbm>>
        tpu.enqueue_dma source(%dma_start3A_324 : memref<96xi32, #tpu.memory_space<hbm>>) target(%arg13 : memref<96xi32, #tpu.memory_space<vmem>>) target_semaphore(%run_scoped3A : memref<!tpu.dma_semaphore, #tpu.memory_space<semaphore_mem>>)
        %dma_wait3A = tpu.memref_slice %arg2[%add3A_16] : memref<331776xi32, #tpu.memory_space<hbm>> -> memref<96xi32, #tpu.memory_space<hbm>>
        %dma_wait3A_325 = tpu.memref_slice %arg2[%add3A_16] : memref<331776xi32, #tpu.memory_space<hbm>> -> memref<96xi32, #tpu.memory_space<hbm>>
        tpu.wait_dma2 semaphore(%run_scoped3A : memref<!tpu.dma_semaphore, #tpu.memory_space<semaphore_mem>>) src(%dma_wait3A_325 : memref<96xi32, #tpu.memory_space<hbm>>) dst(%arg13 : memref<96xi32, #tpu.memory_space<vmem>>)
        tpu.yield
      }) : () -> ()
      "tpu.region"() ({
        %run_scoped3A = tpu.sem_alloc : memref<!tpu.dma_semaphore, #tpu.memory_space<semaphore_mem>>
        %dma_start3A = tpu.memref_slice %arg3[%add3A_16] : memref<331776xi32, #tpu.memory_space<hbm>> -> memref<96xi32, #tpu.memory_space<hbm>>
        %dma_start3A_324 = tpu.memref_slice %arg3[%add3A_16] : memref<331776xi32, #tpu.memory_space<hbm>> -> memref<96xi32, #tpu.memory_space<hbm>>
        tpu.enqueue_dma source(%dma_start3A_324 : memref<96xi32, #tpu.memory_space<hbm>>) target(%arg14 : memref<96xi32, #tpu.memory_space<vmem>>) target_semaphore(%run_scoped3A : memref<!tpu.dma_semaphore, #tpu.memory_space<semaphore_mem>>)
        %dma_wait3A = tpu.memref_slice %arg3[%add3A_16] : memref<331776xi32, #tpu.memory_space<hbm>> -> memref<96xi32, #tpu.memory_space<hbm>>
        %dma_wait3A_325 = tpu.memref_slice %arg3[%add3A_16] : memref<331776xi32, #tpu.memory_space<hbm>> -> memref<96xi32, #tpu.memory_space<hbm>>
        tpu.wait_dma2 semaphore(%run_scoped3A : memref<!tpu.dma_semaphore, #tpu.memory_space<semaphore_mem>>) src(%dma_wait3A_325 : memref<96xi32, #tpu.memory_space<hbm>>) dst(%arg14 : memref<96xi32, #tpu.memory_space<vmem>>)
        tpu.yield
      }) : () -> ()
      %get3A_17 = arith.constant 0 : index
      %get3A_18 = tpu.vector_load %arg13[%get3A_17] {strides = array<i32>} : memref<96xi32, #tpu.memory_space<vmem>>, vector<16xi32>,
      %get3A_19 = arith.constant 0 : index
      %get3A_20 = tpu.vector_load %arg14[%get3A_19] {strides = array<i32>} : memref<96xi32, #tpu.memory_space<vmem>>, vector<16xi32>,
      %gather3A = tpu.vector_load_idx %arg10[%get3A_18] : memref<10000xf32, #tpu.memory_space<vmem>>[vector<16xi32>], vector<16xf32>,
      %gather3A_21 = tpu.vector_load_idx %arg11[%get3A_20] : memref<10000xf32, #tpu.memory_space<vmem>>[vector<16xi32>], vector<16xf32>,
      %add3A_22 = arith.addf %gather3A, %gather3A_21 : vector<16xf32>
      %ge3A = arith.constant 0.000000e+00 : f32
      %ge3A_23 = vector.broadcast %ge3A : f32 to vector<16xf32>
      %ge3A_24 = arith.cmpf oge, %add3A_22, %ge3A_23 : vector<16xf32>
      %mul3A_25 = arith.constant 2.000000e-01 : f32
      %mul3A_26 = vector.broadcast %mul3A_25 : f32 to vector<16xf32>
      %mul3A_27 = arith.mulf %mul3A_26, %add3A_22 : vector<16xf32>
      %select_n3A = arith.select %ge3A_24, %add3A_22, %mul3A_27 : vector<16xi1>, vector<16xf32>
      %sub3A = arith.subf %select_n3A, %get3A_3 : vector<16xf32>
      %exp3A = math.exp %sub3A : vector<16xf32>
      %add3A_28 = arith.constant 0 : i32
      %add3A_29 = arith.addi %add3A_16, %add3A_28 : i32
      %add3A_30 = vector.broadcast %add3A_29 : i32 to vector<16xi32>
      %add3A_31 = arith.addi %add3A_30, %iota3A : vector<16xi32>
      %lt3A = arith.constant 320000 : i32
      %lt3A_32 = vector.broadcast %lt3A : i32 to vector<16xi32>
      %lt3A_33 = arith.cmpi slt, %add3A_31, %lt3A_32 : vector<16xi32>
      %jit3A = arith.constant 0.000000e+00 : f32
      %broadcast_in_dim3A_34 = vector.broadcast %jit3A : f32 to vector<16xf32>
      %select_n3A_35 = arith.select %lt3A_33, %exp3A, %broadcast_in_dim3A_34 : vector<16xi1>, vector<16xf32>
      %mul3A_36 = arith.constant 96 : i32
      %mul3A_37 = arith.muli %scan3A_13, %mul3A_36 : i32
      %add3A_38 = arith.constant 0 : i32
      %add3A_39 = arith.addi %mul3A_37, %add3A_38 : i32
      %swap3A = arith.index_cast %add3A_39 : i32 to index
      %swap3A_40 = tpu.vector_load %arg17[%swap3A] {strides = array<i32>} : memref<10368xf32, #tpu.memory_space<vmem>>, vector<16xf32>,
      tpu.vector_store %arg17[%swap3A], %select_n3A_35 {strides = array<i32>} : memref<10368xf32, #tpu.memory_space<vmem>>, vector<16xf32>,
      %shift_right_logical3A = arith.constant 3 : i32
      %shift_right_logical3A_41 = vector.broadcast %shift_right_logical3A : i32 to vector<16xi32>
      %shift_right_logical3A_42 = arith.shrui %get3A_20, %shift_right_logical3A_41 : vector<16xi32>
      %swap3A_43 = arith.constant 0 : index
      %swap3A_44 = tpu.vector_load %arg15[%swap3A_43] {strides = array<i32>} : memref<96xi32, #tpu.memory_space<vmem>>, vector<16xi32>,
      tpu.vector_store %arg15[%swap3A_43], %shift_right_logical3A_42 {strides = array<i32>} : memref<96xi32, #tpu.memory_space<vmem>>, vector<16xi32>,
      %and3A = arith.constant 7 : i32
      %and3A_45 = vector.broadcast %and3A : i32 to vector<16xi32>
      %and3A_46 = arith.andi %get3A_20, %and3A_45 : vector<16xi32>
      %shift_left3A = arith.constant 4 : i32
      %shift_left3A_47 = vector.broadcast %shift_left3A : i32 to vector<16xi32>
      %shift_left3A_48 = arith.shli %and3A_46, %shift_left3A_47 : vector<16xi32>
      %swap3A_49 = arith.constant 0 : index
      %swap3A_50 = tpu.vector_load %arg16[%swap3A_49] {strides = array<i32>} : memref<96xi32, #tpu.memory_space<vmem>>, vector<16xi32>,
      tpu.vector_store %arg16[%swap3A_49], %shift_left3A_48 {strides = array<i32>} : memref<96xi32, #tpu.memory_space<vmem>>, vector<16xi32>,
      %add3A_51 = arith.constant 0 : i32
      %add3A_52 = vector.broadcast %add3A_51 : i32 to vector<16xi32>
      %add3A_53 = arith.addi %iota3A, %add3A_52 : vector<16xi32>
      tpu.vector_store_idx %arg18[%add3A_53, %shift_left3A_48], %select_n3A_35 : memref<96x128xf32, #tpu.memory_space<vmem>>[vector<16xi32>, vector<16xi32>], vector<16xf32>,
      %get3A_54 = arith.constant 16 : index
      %get3A_55 = tpu.vector_load %arg13[%get3A_54] {strides = array<i32>} : memref<96xi32, #tpu.memory_space<vmem>>, vector<16xi32>,
      %get3A_56 = arith.constant 16 : index
      %get3A_57 = tpu.vector_load %arg14[%get3A_56] {strides = array<i32>} : memref<96xi32, #tpu.memory_space<vmem>>, vector<16xi32>,
      %gather3A_58 = tpu.vector_load_idx %arg10[%get3A_55] : memref<10000xf32, #tpu.memory_space<vmem>>[vector<16xi32>], vector<16xf32>,
      %gather3A_59 = tpu.vector_load_idx %arg11[%get3A_57] : memref<10000xf32, #tpu.memory_space<vmem>>[vector<16xi32>], vector<16xf32>,
      %add3A_60 = arith.addf %gather3A_58, %gather3A_59 : vector<16xf32>
      %ge3A_61 = arith.constant 0.000000e+00 : f32
      %ge3A_62 = vector.broadcast %ge3A_61 : f32 to vector<16xf32>
      %ge3A_63 = arith.cmpf oge, %add3A_60, %ge3A_62 : vector<16xf32>
      %mul3A_64 = arith.constant 2.000000e-01 : f32
      %mul3A_65 = vector.broadcast %mul3A_64 : f32 to vector<16xf32>
      %mul3A_66 = arith.mulf %mul3A_65, %add3A_60 : vector<16xf32>
      %select_n3A_67 = arith.select %ge3A_63, %add3A_60, %mul3A_66 : vector<16xi1>, vector<16xf32>
      %sub3A_68 = arith.subf %select_n3A_67, %get3A_3 : vector<16xf32>
      %exp3A_69 = math.exp %sub3A_68 : vector<16xf32>
      %add3A_70 = arith.constant 16 : i32
      %add3A_71 = arith.addi %add3A_16, %add3A_70 : i32
      %add3A_72 = vector.broadcast %add3A_71 : i32 to vector<16xi32>
      %add3A_73 = arith.addi %add3A_72, %iota3A : vector<16xi32>
      %lt3A_74 = arith.constant 320000 : i32
      %lt3A_75 = vector.broadcast %lt3A_74 : i32 to vector<16xi32>
      %lt3A_76 = arith.cmpi slt, %add3A_73, %lt3A_75 : vector<16xi32>
      %jit3A_77 = arith.constant 0.000000e+00 : f32
      %broadcast_in_dim3A_78 = vector.broadcast %jit3A_77 : f32 to vector<16xf32>
      %select_n3A_79 = arith.select %lt3A_76, %exp3A_69, %broadcast_in_dim3A_78 : vector<16xi1>, vector<16xf32>
      %mul3A_80 = arith.constant 96 : i32
      %mul3A_81 = arith.muli %scan3A_13, %mul3A_80 : i32
      %add3A_82 = arith.constant 16 : i32
      %add3A_83 = arith.addi %mul3A_81, %add3A_82 : i32
      %swap3A_84 = arith.index_cast %add3A_83 : i32 to index
      %swap3A_85 = tpu.vector_load %arg17[%swap3A_84] {strides = array<i32>} : memref<10368xf32, #tpu.memory_space<vmem>>, vector<16xf32>,
      tpu.vector_store %arg17[%swap3A_84], %select_n3A_79 {strides = array<i32>} : memref<10368xf32, #tpu.memory_space<vmem>>, vector<16xf32>,
      %shift_right_logical3A_86 = arith.constant 3 : i32
      %shift_right_logical3A_87 = vector.broadcast %shift_right_logical3A_86 : i32 to vector<16xi32>
      %shift_right_logical3A_88 = arith.shrui %get3A_57, %shift_right_logical3A_87 : vector<16xi32>
      %swap3A_89 = arith.constant 16 : index
      %swap3A_90 = tpu.vector_load %arg15[%swap3A_89] {strides = array<i32>} : memref<96xi32, #tpu.memory_space<vmem>>, vector<16xi32>,
      tpu.vector_store %arg15[%swap3A_89], %shift_right_logical3A_88 {strides = array<i32>} : memref<96xi32, #tpu.memory_space<vmem>>, vector<16xi32>,
      %and3A_91 = arith.constant 7 : i32
      %and3A_92 = vector.broadcast %and3A_91 : i32 to vector<16xi32>
      %and3A_93 = arith.andi %get3A_57, %and3A_92 : vector<16xi32>
      %shift_left3A_94 = arith.constant 4 : i32
      %shift_left3A_95 = vector.broadcast %shift_left3A_94 : i32 to vector<16xi32>
      %shift_left3A_96 = arith.shli %and3A_93, %shift_left3A_95 : vector<16xi32>
      %swap3A_97 = arith.constant 16 : index
      %swap3A_98 = tpu.vector_load %arg16[%swap3A_97] {strides = array<i32>} : memref<96xi32, #tpu.memory_space<vmem>>, vector<16xi32>,
      tpu.vector_store %arg16[%swap3A_97], %shift_left3A_96 {strides = array<i32>} : memref<96xi32, #tpu.memory_space<vmem>>, vector<16xi32>,
      %add3A_99 = arith.constant 16 : i32
      %add3A_100 = vector.broadcast %add3A_99 : i32 to vector<16xi32>
      %add3A_101 = arith.addi %iota3A, %add3A_100 : vector<16xi32>
      tpu.vector_store_idx %arg18[%add3A_101, %shift_left3A_96], %select_n3A_79 : memref<96x128xf32, #tpu.memory_space<vmem>>[vector<16xi32>, vector<16xi32>], vector<16xf32>,
      %get3A_102 = arith.constant 32 : index
      %get3A_103 = tpu.vector_load %arg13[%get3A_102] {strides = array<i32>} : memref<96xi32, #tpu.memory_space<vmem>>, vector<16xi32>,
      %get3A_104 = arith.constant 32 : index
      %get3A_105 = tpu.vector_load %arg14[%get3A_104] {strides = array<i32>} : memref<96xi32, #tpu.memory_space<vmem>>, vector<16xi32>,
      %gather3A_106 = tpu.vector_load_idx %arg10[%get3A_103] : memref<10000xf32, #tpu.memory_space<vmem>>[vector<16xi32>], vector<16xf32>,
      %gather3A_107 = tpu.vector_load_idx %arg11[%get3A_105] : memref<10000xf32, #tpu.memory_space<vmem>>[vector<16xi32>], vector<16xf32>,
      %add3A_108 = arith.addf %gather3A_106, %gather3A_107 : vector<16xf32>
      %ge3A_109 = arith.constant 0.000000e+00 : f32
      %ge3A_110 = vector.broadcast %ge3A_109 : f32 to vector<16xf32>
      %ge3A_111 = arith.cmpf oge, %add3A_108, %ge3A_110 : vector<16xf32>
      %mul3A_112 = arith.constant 2.000000e-01 : f32
      %mul3A_113 = vector.broadcast %mul3A_112 : f32 to vector<16xf32>
      %mul3A_114 = arith.mulf %mul3A_113, %add3A_108 : vector<16xf32>
      %select_n3A_115 = arith.select %ge3A_111, %add3A_108, %mul3A_114 : vector<16xi1>, vector<16xf32>
      %sub3A_116 = arith.subf %select_n3A_115, %get3A_3 : vector<16xf32>
      %exp3A_117 = math.exp %sub3A_116 : vector<16xf32>
      %add3A_118 = arith.constant 32 : i32
      %add3A_119 = arith.addi %add3A_16, %add3A_118 : i32
      %add3A_120 = vector.broadcast %add3A_119 : i32 to vector<16xi32>
      %add3A_121 = arith.addi %add3A_120, %iota3A : vector<16xi32>
      %lt3A_122 = arith.constant 320000 : i32
      %lt3A_123 = vector.broadcast %lt3A_122 : i32 to vector<16xi32>
      %lt3A_124 = arith.cmpi slt, %add3A_121, %lt3A_123 : vector<16xi32>
      %jit3A_125 = arith.constant 0.000000e+00 : f32
      %broadcast_in_dim3A_126 = vector.broadcast %jit3A_125 : f32 to vector<16xf32>
      %select_n3A_127 = arith.select %lt3A_124, %exp3A_117, %broadcast_in_dim3A_126 : vector<16xi1>, vector<16xf32>
      %mul3A_128 = arith.constant 96 : i32
      %mul3A_129 = arith.muli %scan3A_13, %mul3A_128 : i32
      %add3A_130 = arith.constant 32 : i32
      %add3A_131 = arith.addi %mul3A_129, %add3A_130 : i32
      %swap3A_132 = arith.index_cast %add3A_131 : i32 to index
      %swap3A_133 = tpu.vector_load %arg17[%swap3A_132] {strides = array<i32>} : memref<10368xf32, #tpu.memory_space<vmem>>, vector<16xf32>,
      tpu.vector_store %arg17[%swap3A_132], %select_n3A_127 {strides = array<i32>} : memref<10368xf32, #tpu.memory_space<vmem>>, vector<16xf32>,
      %shift_right_logical3A_134 = arith.constant 3 : i32
      %shift_right_logical3A_135 = vector.broadcast %shift_right_logical3A_134 : i32 to vector<16xi32>
      %shift_right_logical3A_136 = arith.shrui %get3A_105, %shift_right_logical3A_135 : vector<16xi32>
      %swap3A_137 = arith.constant 32 : index
      %swap3A_138 = tpu.vector_load %arg15[%swap3A_137] {strides = array<i32>} : memref<96xi32, #tpu.memory_space<vmem>>, vector<16xi32>,
      tpu.vector_store %arg15[%swap3A_137], %shift_right_logical3A_136 {strides = array<i32>} : memref<96xi32, #tpu.memory_space<vmem>>, vector<16xi32>,
      %and3A_139 = arith.constant 7 : i32
      %and3A_140 = vector.broadcast %and3A_139 : i32 to vector<16xi32>
      %and3A_141 = arith.andi %get3A_105, %and3A_140 : vector<16xi32>
      %shift_left3A_142 = arith.constant 4 : i32
      %shift_left3A_143 = vector.broadcast %shift_left3A_142 : i32 to vector<16xi32>
      %shift_left3A_144 = arith.shli %and3A_141, %shift_left3A_143 : vector<16xi32>
      %swap3A_145 = arith.constant 32 : index
      %swap3A_146 = tpu.vector_load %arg16[%swap3A_145] {strides = array<i32>} : memref<96xi32, #tpu.memory_space<vmem>>, vector<16xi32>,
      tpu.vector_store %arg16[%swap3A_145], %shift_left3A_144 {strides = array<i32>} : memref<96xi32, #tpu.memory_space<vmem>>, vector<16xi32>,
      %add3A_147 = arith.constant 32 : i32
      %add3A_148 = vector.broadcast %add3A_147 : i32 to vector<16xi32>
      %add3A_149 = arith.addi %iota3A, %add3A_148 : vector<16xi32>
      tpu.vector_store_idx %arg18[%add3A_149, %shift_left3A_144], %select_n3A_127 : memref<96x128xf32, #tpu.memory_space<vmem>>[vector<16xi32>, vector<16xi32>], vector<16xf32>,
      %get3A_150 = arith.constant 48 : index
      %get3A_151 = tpu.vector_load %arg13[%get3A_150] {strides = array<i32>} : memref<96xi32, #tpu.memory_space<vmem>>, vector<16xi32>,
      %get3A_152 = arith.constant 48 : index
      %get3A_153 = tpu.vector_load %arg14[%get3A_152] {strides = array<i32>} : memref<96xi32, #tpu.memory_space<vmem>>, vector<16xi32>,
      %gather3A_154 = tpu.vector_load_idx %arg10[%get3A_151] : memref<10000xf32, #tpu.memory_space<vmem>>[vector<16xi32>], vector<16xf32>,
      %gather3A_155 = tpu.vector_load_idx %arg11[%get3A_153] : memref<10000xf32, #tpu.memory_space<vmem>>[vector<16xi32>], vector<16xf32>,
      %add3A_156 = arith.addf %gather3A_154, %gather3A_155 : vector<16xf32>
      %ge3A_157 = arith.constant 0.000000e+00 : f32
      %ge3A_158 = vector.broadcast %ge3A_157 : f32 to vector<16xf32>
      %ge3A_159 = arith.cmpf oge, %add3A_156, %ge3A_158 : vector<16xf32>
      %mul3A_160 = arith.constant 2.000000e-01 : f32
      %mul3A_161 = vector.broadcast %mul3A_160 : f32 to vector<16xf32>
      %mul3A_162 = arith.mulf %mul3A_161, %add3A_156 : vector<16xf32>
      %select_n3A_163 = arith.select %ge3A_159, %add3A_156, %mul3A_162 : vector<16xi1>, vector<16xf32>
      %sub3A_164 = arith.subf %select_n3A_163, %get3A_3 : vector<16xf32>
      %exp3A_165 = math.exp %sub3A_164 : vector<16xf32>
      %add3A_166 = arith.constant 48 : i32
      %add3A_167 = arith.addi %add3A_16, %add3A_166 : i32
      %add3A_168 = vector.broadcast %add3A_167 : i32 to vector<16xi32>
      %add3A_169 = arith.addi %add3A_168, %iota3A : vector<16xi32>
      %lt3A_170 = arith.constant 320000 : i32
      %lt3A_171 = vector.broadcast %lt3A_170 : i32 to vector<16xi32>
      %lt3A_172 = arith.cmpi slt, %add3A_169, %lt3A_171 : vector<16xi32>
      %jit3A_173 = arith.constant 0.000000e+00 : f32
      %broadcast_in_dim3A_174 = vector.broadcast %jit3A_173 : f32 to vector<16xf32>
      %select_n3A_175 = arith.select %lt3A_172, %exp3A_165, %broadcast_in_dim3A_174 : vector<16xi1>, vector<16xf32>
      %mul3A_176 = arith.constant 96 : i32
      %mul3A_177 = arith.muli %scan3A_13, %mul3A_176 : i32
      %add3A_178 = arith.constant 48 : i32
      %add3A_179 = arith.addi %mul3A_177, %add3A_178 : i32
      %swap3A_180 = arith.index_cast %add3A_179 : i32 to index
      %swap3A_181 = tpu.vector_load %arg17[%swap3A_180] {strides = array<i32>} : memref<10368xf32, #tpu.memory_space<vmem>>, vector<16xf32>,
      tpu.vector_store %arg17[%swap3A_180], %select_n3A_175 {strides = array<i32>} : memref<10368xf32, #tpu.memory_space<vmem>>, vector<16xf32>,
      %shift_right_logical3A_182 = arith.constant 3 : i32
      %shift_right_logical3A_183 = vector.broadcast %shift_right_logical3A_182 : i32 to vector<16xi32>
      %shift_right_logical3A_184 = arith.shrui %get3A_153, %shift_right_logical3A_183 : vector<16xi32>
      %swap3A_185 = arith.constant 48 : index
      %swap3A_186 = tpu.vector_load %arg15[%swap3A_185] {strides = array<i32>} : memref<96xi32, #tpu.memory_space<vmem>>, vector<16xi32>,
      tpu.vector_store %arg15[%swap3A_185], %shift_right_logical3A_184 {strides = array<i32>} : memref<96xi32, #tpu.memory_space<vmem>>, vector<16xi32>,
      %and3A_187 = arith.constant 7 : i32
      %and3A_188 = vector.broadcast %and3A_187 : i32 to vector<16xi32>
      %and3A_189 = arith.andi %get3A_153, %and3A_188 : vector<16xi32>
      %shift_left3A_190 = arith.constant 4 : i32
      %shift_left3A_191 = vector.broadcast %shift_left3A_190 : i32 to vector<16xi32>
      %shift_left3A_192 = arith.shli %and3A_189, %shift_left3A_191 : vector<16xi32>
      %swap3A_193 = arith.constant 48 : index
      %swap3A_194 = tpu.vector_load %arg16[%swap3A_193] {strides = array<i32>} : memref<96xi32, #tpu.memory_space<vmem>>, vector<16xi32>,
      tpu.vector_store %arg16[%swap3A_193], %shift_left3A_192 {strides = array<i32>} : memref<96xi32, #tpu.memory_space<vmem>>, vector<16xi32>,
      %add3A_195 = arith.constant 48 : i32
      %add3A_196 = vector.broadcast %add3A_195 : i32 to vector<16xi32>
      %add3A_197 = arith.addi %iota3A, %add3A_196 : vector<16xi32>
      tpu.vector_store_idx %arg18[%add3A_197, %shift_left3A_192], %select_n3A_175 : memref<96x128xf32, #tpu.memory_space<vmem>>[vector<16xi32>, vector<16xi32>], vector<16xf32>,
      %get3A_198 = arith.constant 64 : index
      %get3A_199 = tpu.vector_load %arg13[%get3A_198] {strides = array<i32>} : memref<96xi32, #tpu.memory_space<vmem>>, vector<16xi32>,
      %get3A_200 = arith.constant 64 : index
      %get3A_201 = tpu.vector_load %arg14[%get3A_200] {strides = array<i32>} : memref<96xi32, #tpu.memory_space<vmem>>, vector<16xi32>,
      %gather3A_202 = tpu.vector_load_idx %arg10[%get3A_199] : memref<10000xf32, #tpu.memory_space<vmem>>[vector<16xi32>], vector<16xf32>,
      %gather3A_203 = tpu.vector_load_idx %arg11[%get3A_201] : memref<10000xf32, #tpu.memory_space<vmem>>[vector<16xi32>], vector<16xf32>,
      %add3A_204 = arith.addf %gather3A_202, %gather3A_203 : vector<16xf32>
      %ge3A_205 = arith.constant 0.000000e+00 : f32
      %ge3A_206 = vector.broadcast %ge3A_205 : f32 to vector<16xf32>
      %ge3A_207 = arith.cmpf oge, %add3A_204, %ge3A_206 : vector<16xf32>
      %mul3A_208 = arith.constant 2.000000e-01 : f32
      %mul3A_209 = vector.broadcast %mul3A_208 : f32 to vector<16xf32>
      %mul3A_210 = arith.mulf %mul3A_209, %add3A_204 : vector<16xf32>
      %select_n3A_211 = arith.select %ge3A_207, %add3A_204, %mul3A_210 : vector<16xi1>, vector<16xf32>
      %sub3A_212 = arith.subf %select_n3A_211, %get3A_3 : vector<16xf32>
      %exp3A_213 = math.exp %sub3A_212 : vector<16xf32>
      %add3A_214 = arith.constant 64 : i32
      %add3A_215 = arith.addi %add3A_16, %add3A_214 : i32
      %add3A_216 = vector.broadcast %add3A_215 : i32 to vector<16xi32>
      %add3A_217 = arith.addi %add3A_216, %iota3A : vector<16xi32>
      %lt3A_218 = arith.constant 320000 : i32
      %lt3A_219 = vector.broadcast %lt3A_218 : i32 to vector<16xi32>
      %lt3A_220 = arith.cmpi slt, %add3A_217, %lt3A_219 : vector<16xi32>
      %jit3A_221 = arith.constant 0.000000e+00 : f32
      %broadcast_in_dim3A_222 = vector.broadcast %jit3A_221 : f32 to vector<16xf32>
      %select_n3A_223 = arith.select %lt3A_220, %exp3A_213, %broadcast_in_dim3A_222 : vector<16xi1>, vector<16xf32>
      %mul3A_224 = arith.constant 96 : i32
      %mul3A_225 = arith.muli %scan3A_13, %mul3A_224 : i32
      %add3A_226 = arith.constant 64 : i32
      %add3A_227 = arith.addi %mul3A_225, %add3A_226 : i32
      %swap3A_228 = arith.index_cast %add3A_227 : i32 to index
      %swap3A_229 = tpu.vector_load %arg17[%swap3A_228] {strides = array<i32>} : memref<10368xf32, #tpu.memory_space<vmem>>, vector<16xf32>,
      tpu.vector_store %arg17[%swap3A_228], %select_n3A_223 {strides = array<i32>} : memref<10368xf32, #tpu.memory_space<vmem>>, vector<16xf32>,
      %shift_right_logical3A_230 = arith.constant 3 : i32
      %shift_right_logical3A_231 = vector.broadcast %shift_right_logical3A_230 : i32 to vector<16xi32>
      %shift_right_logical3A_232 = arith.shrui %get3A_201, %shift_right_logical3A_231 : vector<16xi32>
      %swap3A_233 = arith.constant 64 : index
      %swap3A_234 = tpu.vector_load %arg15[%swap3A_233] {strides = array<i32>} : memref<96xi32, #tpu.memory_space<vmem>>, vector<16xi32>,
      tpu.vector_store %arg15[%swap3A_233], %shift_right_logical3A_232 {strides = array<i32>} : memref<96xi32, #tpu.memory_space<vmem>>, vector<16xi32>,
      %and3A_235 = arith.constant 7 : i32
      %and3A_236 = vector.broadcast %and3A_235 : i32 to vector<16xi32>
      %and3A_237 = arith.andi %get3A_201, %and3A_236 : vector<16xi32>
      %shift_left3A_238 = arith.constant 4 : i32
      %shift_left3A_239 = vector.broadcast %shift_left3A_238 : i32 to vector<16xi32>
      %shift_left3A_240 = arith.shli %and3A_237, %shift_left3A_239 : vector<16xi32>
      %swap3A_241 = arith.constant 64 : index
      %swap3A_242 = tpu.vector_load %arg16[%swap3A_241] {strides = array<i32>} : memref<96xi32, #tpu.memory_space<vmem>>, vector<16xi32>,
      tpu.vector_store %arg16[%swap3A_241], %shift_left3A_240 {strides = array<i32>} : memref<96xi32, #tpu.memory_space<vmem>>, vector<16xi32>,
      %add3A_243 = arith.constant 64 : i32
      %add3A_244 = vector.broadcast %add3A_243 : i32 to vector<16xi32>
      %add3A_245 = arith.addi %iota3A, %add3A_244 : vector<16xi32>
      tpu.vector_store_idx %arg18[%add3A_245, %shift_left3A_240], %select_n3A_223 : memref<96x128xf32, #tpu.memory_space<vmem>>[vector<16xi32>, vector<16xi32>], vector<16xf32>,
      %get3A_246 = arith.constant 80 : index
      %get3A_247 = tpu.vector_load %arg13[%get3A_246] {strides = array<i32>} : memref<96xi32, #tpu.memory_space<vmem>>, vector<16xi32>,
      %get3A_248 = arith.constant 80 : index
      %get3A_249 = tpu.vector_load %arg14[%get3A_248] {strides = array<i32>} : memref<96xi32, #tpu.memory_space<vmem>>, vector<16xi32>,
      %gather3A_250 = tpu.vector_load_idx %arg10[%get3A_247] : memref<10000xf32, #tpu.memory_space<vmem>>[vector<16xi32>], vector<16xf32>,
      %gather3A_251 = tpu.vector_load_idx %arg11[%get3A_249] : memref<10000xf32, #tpu.memory_space<vmem>>[vector<16xi32>], vector<16xf32>,
      %add3A_252 = arith.addf %gather3A_250, %gather3A_251 : vector<16xf32>
      %ge3A_253 = arith.constant 0.000000e+00 : f32
      %ge3A_254 = vector.broadcast %ge3A_253 : f32 to vector<16xf32>
      %ge3A_255 = arith.cmpf oge, %add3A_252, %ge3A_254 : vector<16xf32>
      %mul3A_256 = arith.constant 2.000000e-01 : f32
      %mul3A_257 = vector.broadcast %mul3A_256 : f32 to vector<16xf32>
      %mul3A_258 = arith.mulf %mul3A_257, %add3A_252 : vector<16xf32>
      %select_n3A_259 = arith.select %ge3A_255, %add3A_252, %mul3A_258 : vector<16xi1>, vector<16xf32>
      %sub3A_260 = arith.subf %select_n3A_259, %get3A_3 : vector<16xf32>
      %exp3A_261 = math.exp %sub3A_260 : vector<16xf32>
      %add3A_262 = arith.constant 80 : i32
      %add3A_263 = arith.addi %add3A_16, %add3A_262 : i32
      %add3A_264 = vector.broadcast %add3A_263 : i32 to vector<16xi32>
      %add3A_265 = arith.addi %add3A_264, %iota3A : vector<16xi32>
      %lt3A_266 = arith.constant 320000 : i32
      %lt3A_267 = vector.broadcast %lt3A_266 : i32 to vector<16xi32>
      %lt3A_268 = arith.cmpi slt, %add3A_265, %lt3A_267 : vector<16xi32>
      %jit3A_269 = arith.constant 0.000000e+00 : f32
      %broadcast_in_dim3A_270 = vector.broadcast %jit3A_269 : f32 to vector<16xf32>
      %select_n3A_271 = arith.select %lt3A_268, %exp3A_261, %broadcast_in_dim3A_270 : vector<16xi1>, vector<16xf32>
      %mul3A_272 = arith.constant 96 : i32
      %mul3A_273 = arith.muli %scan3A_13, %mul3A_272 : i32
      %add3A_274 = arith.constant 80 : i32
      %add3A_275 = arith.addi %mul3A_273, %add3A_274 : i32
      %swap3A_276 = arith.index_cast %add3A_275 : i32 to index
      %swap3A_277 = tpu.vector_load %arg17[%swap3A_276] {strides = array<i32>} : memref<10368xf32, #tpu.memory_space<vmem>>, vector<16xf32>,
      tpu.vector_store %arg17[%swap3A_276], %select_n3A_271 {strides = array<i32>} : memref<10368xf32, #tpu.memory_space<vmem>>, vector<16xf32>,
      %shift_right_logical3A_278 = arith.constant 3 : i32
      %shift_right_logical3A_279 = vector.broadcast %shift_right_logical3A_278 : i32 to vector<16xi32>
      %shift_right_logical3A_280 = arith.shrui %get3A_249, %shift_right_logical3A_279 : vector<16xi32>
      %swap3A_281 = arith.constant 80 : index
      %swap3A_282 = tpu.vector_load %arg15[%swap3A_281] {strides = array<i32>} : memref<96xi32, #tpu.memory_space<vmem>>, vector<16xi32>,
      tpu.vector_store %arg15[%swap3A_281], %shift_right_logical3A_280 {strides = array<i32>} : memref<96xi32, #tpu.memory_space<vmem>>, vector<16xi32>,
      %and3A_283 = arith.constant 7 : i32
      %and3A_284 = vector.broadcast %and3A_283 : i32 to vector<16xi32>
      %and3A_285 = arith.andi %get3A_249, %and3A_284 : vector<16xi32>
      %shift_left3A_286 = arith.constant 4 : i32
      %shift_left3A_287 = vector.broadcast %shift_left3A_286 : i32 to vector<16xi32>
      %shift_left3A_288 = arith.shli %and3A_285, %shift_left3A_287 : vector<16xi32>
      %swap3A_289 = arith.constant 80 : index
      %swap3A_290 = tpu.vector_load %arg16[%swap3A_289] {strides = array<i32>} : memref<96xi32, #tpu.memory_space<vmem>>, vector<16xi32>,
      tpu.vector_store %arg16[%swap3A_289], %shift_left3A_288 {strides = array<i32>} : memref<96xi32, #tpu.memory_space<vmem>>, vector<16xi32>,
      %add3A_291 = arith.constant 80 : i32
      %add3A_292 = vector.broadcast %add3A_291 : i32 to vector<16xi32>
      %add3A_293 = arith.addi %iota3A, %add3A_292 : vector<16xi32>
      tpu.vector_store_idx %arg18[%add3A_293, %shift_left3A_288], %select_n3A_271 : memref<96x128xf32, #tpu.memory_space<vmem>>[vector<16xi32>, vector<16xi32>], vector<16xf32>,
      "tpu.region"() ({
        %run_scoped3A = tpu.sem_alloc : memref<!tpu.dma_semaphore, #tpu.memory_space<semaphore_mem>>
        %dma_start3A = arith.constant 0 : i32
        %dma_start3A_324 = arith.constant 0 : i32
        %dma_start3A_325 = tpu.memref_slice %arg19[%dma_start3A, %dma_start3A_324] : memref<1280x128xf32, #tpu.memory_space<vmem_shared>> -> memref<1280x128xf32, #tpu.memory_space<vmem_shared>>
        tpu.enqueue_indirect_dma source(%arg18 : memref<96x128xf32, #tpu.memory_space<vmem>>) target(%dma_start3A_325 : memref<1280x128xf32, #tpu.memory_space<vmem_shared>>) offsets(%arg15 : memref<96xi32, #tpu.memory_space<vmem>>) semaphore(%run_scoped3A : memref<!tpu.dma_semaphore, #tpu.memory_space<semaphore_mem>>) {add = true}
        %dma_wait3A = arith.constant 0 : i32
        %dma_wait3A_326 = arith.constant 0 : i32
        %dma_wait3A_327 = tpu.memref_slice %arg19[%dma_wait3A, %dma_wait3A_326] : memref<1280x128xf32, #tpu.memory_space<vmem_shared>> -> memref<1280x128xf32, #tpu.memory_space<vmem_shared>>
        tpu.wait_indirect_dma semaphore(%run_scoped3A : memref<!tpu.dma_semaphore, #tpu.memory_space<semaphore_mem>>) src(%arg18 : memref<96x128xf32, #tpu.memory_space<vmem>>) dst(%dma_wait3A_327 : memref<1280x128xf32, #tpu.memory_space<vmem_shared>>)
        tpu.yield
      }) : () -> ()
      %get3A_294 = arith.constant 0 : index
      %get3A_295 = tpu.vector_load %arg16[%get3A_294] {strides = array<i32>} : memref<96xi32, #tpu.memory_space<vmem>>, vector<16xi32>,
      %add3A_296 = arith.constant 0 : i32
      %add3A_297 = vector.broadcast %add3A_296 : i32 to vector<16xi32>
      %add3A_298 = arith.addi %iota3A, %add3A_297 : vector<16xi32>
      tpu.vector_store_idx %arg18[%add3A_298, %get3A_295], %broadcast_in_dim3A_4 : memref<96x128xf32, #tpu.memory_space<vmem>>[vector<16xi32>, vector<16xi32>], vector<16xf32>,
      %get3A_299 = arith.constant 16 : index
      %get3A_300 = tpu.vector_load %arg16[%get3A_299] {strides = array<i32>} : memref<96xi32, #tpu.memory_space<vmem>>, vector<16xi32>,
      %add3A_301 = arith.constant 16 : i32
      %add3A_302 = vector.broadcast %add3A_301 : i32 to vector<16xi32>
      %add3A_303 = arith.addi %iota3A, %add3A_302 : vector<16xi32>
      tpu.vector_store_idx %arg18[%add3A_303, %get3A_300], %broadcast_in_dim3A_4 : memref<96x128xf32, #tpu.memory_space<vmem>>[vector<16xi32>, vector<16xi32>], vector<16xf32>,
      %get3A_304 = arith.constant 32 : index
      %get3A_305 = tpu.vector_load %arg16[%get3A_304] {strides = array<i32>} : memref<96xi32, #tpu.memory_space<vmem>>, vector<16xi32>,
      %add3A_306 = arith.constant 32 : i32
      %add3A_307 = vector.broadcast %add3A_306 : i32 to vector<16xi32>
      %add3A_308 = arith.addi %iota3A, %add3A_307 : vector<16xi32>
      tpu.vector_store_idx %arg18[%add3A_308, %get3A_305], %broadcast_in_dim3A_4 : memref<96x128xf32, #tpu.memory_space<vmem>>[vector<16xi32>, vector<16xi32>], vector<16xf32>,
      %get3A_309 = arith.constant 48 : index
      %get3A_310 = tpu.vector_load %arg16[%get3A_309] {strides = array<i32>} : memref<96xi32, #tpu.memory_space<vmem>>, vector<16xi32>,
      %add3A_311 = arith.constant 48 : i32
      %add3A_312 = vector.broadcast %add3A_311 : i32 to vector<16xi32>
      %add3A_313 = arith.addi %iota3A, %add3A_312 : vector<16xi32>
      tpu.vector_store_idx %arg18[%add3A_313, %get3A_310], %broadcast_in_dim3A_4 : memref<96x128xf32, #tpu.memory_space<vmem>>[vector<16xi32>, vector<16xi32>], vector<16xf32>,
      %get3A_314 = arith.constant 64 : index
      %get3A_315 = tpu.vector_load %arg16[%get3A_314] {strides = array<i32>} : memref<96xi32, #tpu.memory_space<vmem>>, vector<16xi32>,
      %add3A_316 = arith.constant 64 : i32
      %add3A_317 = vector.broadcast %add3A_316 : i32 to vector<16xi32>
      %add3A_318 = arith.addi %iota3A, %add3A_317 : vector<16xi32>
      tpu.vector_store_idx %arg18[%add3A_318, %get3A_315], %broadcast_in_dim3A_4 : memref<96x128xf32, #tpu.memory_space<vmem>>[vector<16xi32>, vector<16xi32>], vector<16xf32>,
      %get3A_319 = arith.constant 80 : index
      %get3A_320 = tpu.vector_load %arg16[%get3A_319] {strides = array<i32>} : memref<96xi32, #tpu.memory_space<vmem>>, vector<16xi32>,
      %add3A_321 = arith.constant 80 : i32
      %add3A_322 = vector.broadcast %add3A_321 : i32 to vector<16xi32>
      %add3A_323 = arith.addi %iota3A, %add3A_322 : vector<16xi32>
      tpu.vector_store_idx %arg18[%add3A_323, %get3A_320], %broadcast_in_dim3A_4 : memref<96x128xf32, #tpu.memory_space<vmem>>[vector<16xi32>, vector<16xi32>], vector<16xf32>,
    }
    %scan3A_11 = arith.constant 108 : i32
    "tpu.region"() ({
      %run_scoped3A = tpu.sem_alloc : memref<!tpu.dma_semaphore, #tpu.memory_space<semaphore_mem>>
      %dma_start3A = tpu.memref_slice %arg8[%mul3A_6] : memref<331776xf32, #tpu.memory_space<hbm>> -> memref<10368xf32, #tpu.memory_space<hbm>>
      %dma_start3A_13 = tpu.memref_slice %arg8[%mul3A_6] : memref<331776xf32, #tpu.memory_space<hbm>> -> memref<10368xf32, #tpu.memory_space<hbm>>
      tpu.enqueue_dma source(%arg17 : memref<10368xf32, #tpu.memory_space<vmem>>) target(%dma_start3A_13 : memref<10368xf32, #tpu.memory_space<hbm>>) target_semaphore(%run_scoped3A : memref<!tpu.dma_semaphore, #tpu.memory_space<semaphore_mem>>)
      %dma_wait3A = tpu.memref_slice %arg8[%mul3A_6] : memref<331776xf32, #tpu.memory_space<hbm>> -> memref<10368xf32, #tpu.memory_space<hbm>>
      %dma_wait3A_14 = tpu.memref_slice %arg8[%mul3A_6] : memref<331776xf32, #tpu.memory_space<hbm>> -> memref<10368xf32, #tpu.memory_space<hbm>>
      tpu.wait_dma2 semaphore(%run_scoped3A : memref<!tpu.dma_semaphore, #tpu.memory_space<semaphore_mem>>) src(%arg17 : memref<10368xf32, #tpu.memory_space<vmem>>) dst(%dma_wait3A_14 : memref<10368xf32, #tpu.memory_space<hbm>>)
      tpu.yield
    }) : () -> ()
    %barrier3A_12 = arith.constant 0 : index
    tpu.barrier barrier_id(%barrier3A_12)
    "tpu.region"() ({
      %run_scoped3A = tpu.sem_alloc : memref<!tpu.dma_semaphore, #tpu.memory_space<semaphore_mem>>
      %dma_start3A = arith.constant 0 : i32
      %dma_start3A_13 = tpu.memref_slice %arg9[%arg0, %mul3A_2, %dma_start3A] : memref<2x1280x128xf32, #tpu.memory_space<hbm>> -> memref<1x80x128xf32, #tpu.memory_space<hbm>>
      %dma_start3A_14 = tpu.memref_squeeze %dma_start3A_13 : memref<1x80x128xf32, #tpu.memory_space<hbm>> -> memref<80x128xf32, #tpu.memory_space<hbm>>
      %dma_start3A_15 = arith.constant 0 : i32
      %dma_start3A_16 = tpu.memref_slice %arg19[%mul3A_2, %dma_start3A_15] : memref<1280x128xf32, #tpu.memory_space<vmem_shared>> -> memref<80x128xf32, #tpu.memory_space<vmem_shared>>
      tpu.enqueue_dma source(%dma_start3A_16 : memref<80x128xf32, #tpu.memory_space<vmem_shared>>) target(%dma_start3A_14 : memref<80x128xf32, #tpu.memory_space<hbm>>) target_semaphore(%run_scoped3A : memref<!tpu.dma_semaphore, #tpu.memory_space<semaphore_mem>>)
      %dma_wait3A = arith.constant 0 : i32
      %dma_wait3A_17 = tpu.memref_slice %arg9[%arg0, %mul3A_2, %dma_wait3A] : memref<2x1280x128xf32, #tpu.memory_space<hbm>> -> memref<1x80x128xf32, #tpu.memory_space<hbm>>
      %dma_wait3A_18 = tpu.memref_squeeze %dma_wait3A_17 : memref<1x80x128xf32, #tpu.memory_space<hbm>> -> memref<80x128xf32, #tpu.memory_space<hbm>>
      %dma_wait3A_19 = arith.constant 0 : i32
      %dma_wait3A_20 = tpu.memref_slice %arg19[%mul3A_2, %dma_wait3A_19] : memref<1280x128xf32, #tpu.memory_space<vmem_shared>> -> memref<80x128xf32, #tpu.memory_space<vmem_shared>>
      tpu.wait_dma2 semaphore(%run_scoped3A : memref<!tpu.dma_semaphore, #tpu.memory_space<semaphore_mem>>) src(%dma_wait3A_20 : memref<80x128xf32, #tpu.memory_space<vmem_shared>>) dst(%dma_wait3A_18 : memref<80x128xf32, #tpu.memory_space<hbm>>)
      tpu.yield
    }) : () -> ()
    return
  }
}

module attributes {stable_mosaic.version = 14 : i64} {
  func.func @_stage1_body(%arg0: memref<10000x128xf32, #tpu.memory_space<vmem>>, %arg1: memref<128x128xf32, #tpu.memory_space<vmem>>, %arg2: memref<1x128xf32, #tpu.memory_space<vmem>>, %arg3: memref<1x128xf32, #tpu.memory_space<vmem>>, %arg4: memref<10000x128xf32, #tpu.memory_space<vmem>>, %arg5: memref<10000x1xf32, #tpu.memory_space<vmem>>, %arg6: memref<10000x1xf32, #tpu.memory_space<vmem>>, %arg7: memref<8x128xf32, #tpu.memory_space<vmem>>) attributes {dimension_semantics = [], scalar_prefetch = 0 : i64, scratch_operands = 0 : i64, tpu.core_type = #tpu.core_type<tc>} {
    %get3A = arith.constant 0 : index
    %get3A_0 = arith.constant 0 : index
    %get3A_1 = vector.load %arg0[%get3A, %get3A_0] : memref<10000x128xf32, #tpu.memory_space<vmem>>, vector<10000x128xf32>
    %get3A_2 = arith.constant 0 : index
    %get3A_3 = arith.constant 0 : index
    %get3A_4 = vector.load %arg1[%get3A_2, %get3A_3] : memref<128x128xf32, #tpu.memory_space<vmem>>, vector<128x128xf32>
    %dot_general3A = arith.constant dense<0.000000e+00> : vector<10000x128xf32>
    %dot_general3A_5 = tpu.matmul %get3A_1, %get3A_4, %dot_general3A {dimension_numbers = #tpu.dot_dimension_numbers<[1], [0], [0], [1], [0, 0, 1, 1], [], []>, transpose_lhs_hint = false} : vector<10000x128xf32>, vector<128x128xf32>, vector<10000x128xf32> -> vector<10000x128xf32>
    %swap3A = arith.constant 0 : index
    %swap3A_6 = arith.constant 0 : index
    %swap3A_7 = vector.load %arg4[%swap3A, %swap3A_6] : memref<10000x128xf32, #tpu.memory_space<vmem>>, vector<10000x128xf32>
    tpu.vector_store %arg4[%swap3A, %swap3A_6], %dot_general3A_5 {strides = array<i32>} : memref<10000x128xf32, #tpu.memory_space<vmem>>, vector<10000x128xf32>,
    %get3A_8 = arith.constant 0 : index
    %get3A_9 = arith.constant 0 : index
    %get3A_10 = vector.load %arg2[%get3A_8, %get3A_9] : memref<1x128xf32, #tpu.memory_space<vmem>>, vector<1x128xf32>
    %mul3A = vector.broadcast %get3A_10 : vector<1x128xf32> to vector<10000x128xf32>
    %mul3A_11 = arith.mulf %dot_general3A_5, %mul3A : vector<10000x128xf32>
    %reduce_sum3A = arith.constant dense<0.000000e+00> : vector<10000xf32>
    %reduce_sum3A_12 = vector.multi_reduction <add>, %mul3A_11, %reduce_sum3A [1] : vector<10000x128xf32> to vector<10000xf32>
    %broadcast_in_dim3A = vector.shape_cast %reduce_sum3A_12 : vector<10000xf32> to vector<10000x1xf32>
    %get3A_13 = arith.constant 0 : index
    %get3A_14 = arith.constant 0 : index
    %get3A_15 = vector.load %arg3[%get3A_13, %get3A_14] : memref<1x128xf32, #tpu.memory_space<vmem>>, vector<1x128xf32>
    %mul3A_16 = vector.broadcast %get3A_15 : vector<1x128xf32> to vector<10000x128xf32>
    %mul3A_17 = arith.mulf %dot_general3A_5, %mul3A_16 : vector<10000x128xf32>
    %reduce_sum3A_18 = arith.constant dense<0.000000e+00> : vector<10000xf32>
    %reduce_sum3A_19 = vector.multi_reduction <add>, %mul3A_17, %reduce_sum3A_18 [1] : vector<10000x128xf32> to vector<10000xf32>
    %broadcast_in_dim3A_20 = vector.shape_cast %reduce_sum3A_19 : vector<10000xf32> to vector<10000x1xf32>
    %swap3A_21 = arith.constant 0 : index
    %swap3A_22 = arith.constant 0 : index
    %swap3A_23 = vector.load %arg5[%swap3A_21, %swap3A_22] : memref<10000x1xf32, #tpu.memory_space<vmem>>, vector<10000x1xf32>
    tpu.vector_store %arg5[%swap3A_21, %swap3A_22], %broadcast_in_dim3A {strides = array<i32>} : memref<10000x1xf32, #tpu.memory_space<vmem>>, vector<10000x1xf32>,
    %swap3A_24 = arith.constant 0 : index
    %swap3A_25 = arith.constant 0 : index
    %swap3A_26 = vector.load %arg6[%swap3A_24, %swap3A_25] : memref<10000x1xf32, #tpu.memory_space<vmem>>, vector<10000x1xf32>
    tpu.vector_store %arg6[%swap3A_24, %swap3A_25], %broadcast_in_dim3A_20 {strides = array<i32>} : memref<10000x1xf32, #tpu.memory_space<vmem>>, vector<10000x1xf32>,
    %reduce_max3A = vector.shape_cast %broadcast_in_dim3A : vector<10000x1xf32> to vector<1x10000x1xf32>
    %reduce_max3A_27 = arith.constant dense<0xFF800000> : vector<1xf32>
    %reduce_max3A_28 = vector.multi_reduction <maximumf>, %reduce_max3A, %reduce_max3A_27 [1, 2] : vector<1x10000x1xf32> to vector<1xf32>
    %reduce_max3A_29 = vector.shape_cast %reduce_max3A_28 : vector<1xf32> to vector<1x1x1xf32>
    %reduce_max3A_30 = vector.extract %reduce_max3A_29[0, 0, 0] : f32 from vector<1x1x1xf32>
    %reduce_max3A_31 = vector.shape_cast %broadcast_in_dim3A_20 : vector<10000x1xf32> to vector<1x10000x1xf32>
    %reduce_max3A_32 = arith.constant dense<0xFF800000> : vector<1xf32>
    %reduce_max3A_33 = vector.multi_reduction <maximumf>, %reduce_max3A_31, %reduce_max3A_32 [1, 2] : vector<1x10000x1xf32> to vector<1xf32>
    %reduce_max3A_34 = vector.shape_cast %reduce_max3A_33 : vector<1xf32> to vector<1x1x1xf32>
    %reduce_max3A_35 = vector.extract %reduce_max3A_34[0, 0, 0] : f32 from vector<1x1x1xf32>
    %add3A = arith.addf %reduce_max3A_30, %reduce_max3A_35 : f32
    %ge3A = arith.constant 0.000000e+00 : f32
    %ge3A_36 = arith.cmpf oge, %add3A, %ge3A : f32
    %mul3A_37 = arith.constant 2.000000e-01 : f32
    %mul3A_38 = arith.mulf %mul3A_37, %add3A : f32
    %select_n3A = arith.select %ge3A_36, %add3A, %mul3A_38 : f32
    %broadcast_in_dim3A_39 = vector.broadcast %select_n3A : f32 to vector<8x128xf32>
    %swap3A_40 = arith.constant 0 : index
    %swap3A_41 = arith.constant 0 : index
    %swap3A_42 = vector.load %arg7[%swap3A_40, %swap3A_41] : memref<8x128xf32, #tpu.memory_space<vmem>>, vector<8x128xf32>
    tpu.vector_store %arg7[%swap3A_40, %swap3A_41], %broadcast_in_dim3A_39 {strides = array<i32>} : memref<8x128xf32, #tpu.memory_space<vmem>>, vector<8x128xf32>,
    return
  }
}

module attributes {stable_mosaic.version = 14 : i64} {
  func.func @_stage4_body(%arg0: memref<2x10112x128xf32, #tpu.memory_space<vmem>>, %arg1: memref<10240x1xf32, #tpu.memory_space<vmem>>, %arg2: memref<128x128xf32, #tpu.memory_space<vmem>>, %arg3: memref<10000x128xf32, #tpu.memory_space<vmem>>) attributes {dimension_semantics = [], scalar_prefetch = 0 : i64, scratch_operands = 0 : i64, tpu.core_type = #tpu.core_type<tc>} {
    %get3A = arith.constant 0 : index
    %get3A_0 = arith.constant 0 : index
    %get3A_1 = arith.constant 0 : index
    %get3A_2 = vector.load %arg0[%get3A, %get3A_0, %get3A_1] : memref<2x10112x128xf32, #tpu.memory_space<vmem>>, vector<1x10000x128xf32>
    %get3A_3 = vector.shape_cast %get3A_2 : vector<1x10000x128xf32> to vector<10000x128xf32>
    %get3A_4 = arith.constant 1 : index
    %get3A_5 = arith.constant 0 : index
    %get3A_6 = arith.constant 0 : index
    %get3A_7 = vector.load %arg0[%get3A_4, %get3A_5, %get3A_6] : memref<2x10112x128xf32, #tpu.memory_space<vmem>>, vector<1x10000x128xf32>
    %get3A_8 = vector.shape_cast %get3A_7 : vector<1x10000x128xf32> to vector<10000x128xf32>
    %add3A = arith.addf %get3A_3, %get3A_8 : vector<10000x128xf32>
    %get3A_9 = arith.constant 0 : index
    %get3A_10 = arith.constant 0 : index
    %get3A_11 = vector.load %arg1[%get3A_9, %get3A_10] : memref<10240x1xf32, #tpu.memory_space<vmem>>, vector<10000x1xf32>
    %add3A_12 = arith.constant 1.000000e-16 : f32
    %add3A_13 = vector.broadcast %add3A_12 : f32 to vector<10000x1xf32>
    %add3A_14 = arith.addf %get3A_11, %add3A_13 : vector<10000x1xf32>
    %div3A = vector.broadcast %add3A_14 : vector<10000x1xf32> to vector<10000x128xf32>
    %div3A_15 = arith.divf %add3A, %div3A : vector<10000x128xf32>
    %gt3A = arith.constant 0.000000e+00 : f32
    %gt3A_16 = vector.broadcast %gt3A : f32 to vector<10000x128xf32>
    %gt3A_17 = arith.cmpf ogt, %div3A_15, %gt3A_16 : vector<10000x128xf32>
    %exp3A = math.exp %div3A_15 : vector<10000x128xf32>
    %sub3A = arith.constant 1.000000e+00 : f32
    %sub3A_18 = vector.broadcast %sub3A : f32 to vector<10000x128xf32>
    %sub3A_19 = arith.subf %exp3A, %sub3A_18 : vector<10000x128xf32>
    %select_n3A = arith.select %gt3A_17, %div3A_15, %sub3A_19 : vector<10000x128xi1>, vector<10000x128xf32>
    %get3A_20 = arith.constant 0 : index
    %get3A_21 = arith.constant 0 : index
    %get3A_22 = vector.load %arg2[%get3A_20, %get3A_21] : memref<128x128xf32, #tpu.memory_space<vmem>>, vector<128x128xf32>
    %dot_general3A = arith.constant dense<0.000000e+00> : vector<10000x128xf32>
    %dot_general3A_23 = tpu.matmul %select_n3A, %get3A_22, %dot_general3A {dimension_numbers = #tpu.dot_dimension_numbers<[1], [0], [0], [1], [0, 0, 1, 1], [], []>, transpose_lhs_hint = false} : vector<10000x128xf32>, vector<128x128xf32>, vector<10000x128xf32> -> vector<10000x128xf32>
    %swap3A = arith.constant 0 : index
    %swap3A_24 = arith.constant 0 : index
    %swap3A_25 = vector.load %arg3[%swap3A, %swap3A_24] : memref<10000x128xf32, #tpu.memory_space<vmem>>, vector<10000x128xf32>
    tpu.vector_store %arg3[%swap3A, %swap3A_24], %dot_general3A_23 {strides = array<i32>} : memref<10000x128xf32, #tpu.memory_space<vmem>>, vector<10000x128xf32>,
    return
  }
}

</mosaic_0001>

<sc_bundles>
// kernel: kernel.6.cloned.1.call-start
scs
__scs_entry_jumppad:
0x0: {  	(pc) =	sbr.rel $0x88, $3  }
0x1: {  	(tag) =	ssettag $0x0;
	lr =	simm.s32 $0x1  }
0x2: {  	[smem:$0x3F9B] =	sst lr;
	_ =	strace $0xD0000000  }
0x3: {  	_ = 	snop  }
0x4: {  	_ = 	snop  }
0x5: {  	_ = 	snop  }
0x6: {  	_ = 	snop  }
0x7: {  	_ = 	snop  }
__scs_overlays_trampoline_lowered:
0x8: {  	[smem:$0x3FAA] =	sst s0  }
0x9: {  	[smem:$0x3FAB] =	sst s1  }
0xa: {  	[smem:$0x3FAC] =	sst s2  }
0xb: {  	[smem:$0x3FAD] =	sst s3  }
0xc: {  	[smem:$0x3FAE] =	sst s4  }
0xd: {  	[smem:$0x3FAF] =	sst s5  }
0xe: {  	[smem:$0x3FB0] =	sst s6  }
0xf: {  	[smem:$0x3FB1] =	sst s7  }
0x10: {  	[smem:$0x3FB2] =	sst s8  }
0x11: {  	[smem:$0x3FB3] =	sst s9;
	s0 =	simm.s32 @!p0 $0x0  }
0x12: {  	s1 =	sld [smem:$0x3F99];
	s0 =	simm.s32 @p0 $0x1  }
0x13: {  	[smem:$0x3FB4] =	sst s0;
	s0 =	simm.s32 @!p1 $0x0  }
0x14: {  	s2 =	sld [smem:$0x3F98];
	s0 =	simm.s32 @p1 $0x1  }
0x15: {  	[smem:$0x3FB5] =	sst s0;
	s0 =	simm.s32 @!p2 $0x0  }
0x16: {  	s3 =	sld [smem:$0x3FDB];
	s0 =	simm.s32 @p2 $0x1  }
0x17: {  	s4 =	simm.s32 $0x1BF5;
	[smem:$0x3FB7] =	sst s0  }
0x18: {  	s0 =	sld [smem:$0x3F9A];
	_ =	swait.ge [sflag:s4], $0x0  }
0x19: {  	s7 =	sld [smem:$0x3F9B]  }
0x1a: {  	s8 =	sadd.s32 $0xFFFFE003, lr  }
0x1b: {  	s9 =	sadd.s32 $0xFFFFFEF7, lr;
	s5 =	simm.s32 $0xFFFFFFFF;
	p2 =	slt.u32 s8, $0xFFFFF086  }
0x1c: {  	p1 =	slt.u32 s9, $0xF7A;
	s5 =	simm.s32 @!p2 $0x0  }
0x1d: {  	s5 =	simm.s32 @p1 $0x1;
	p0 =	seq.s32 s7, s2  }
0x1e: {  	s7 =	smul.u32 @!p0 $0xF7A, s2;
	p2 =	seq.s32 @!p0 s5, $0x0  }
0x1f: {  	s9 =	smul.u32 $0xF7A, s1;
	s8 =	simm.s32 @!p0 $0x1BF5;
	p2 =	por !p2, p0  }
0x20: {  	[sflag:s8] =	ssyncset.s32 @!p0 $0xFFFFF086;
	s6 =	sadd.s32 @!p0 s3, s7;
	s7 =	simm.s32 @!p0 $0x108  }
0x21: {  	s3 =	sadd.s32 s3, s9;
	s6 =	sadd.s32 @!p0 $0x88, s6;
	s7 =	simm.s32 @p2 $0x1082  }
0x22: {  	[simem:s7], [sflag:s8] =	dma.local @!p0 [hbm:s6], $0xF7A  }
0x23: {  	s9 =	sor.u32 $0xD0000000, s2;
	s6 =	simm.s32 $0x108;
	_ =	swait.ge @!p0 [sflag:s8], $0x0  }
0x24: {  	s3 =	sadd.s32 $0x88, s3;
	s6 =	simm.s32 @!p1 $0x1082;
	[sflag:s4] =	ssyncset.s32 $0xFFFFF086  }
0x25: {  	[simem:s6], [sflag:s4] =	dma.local [hbm:s3], $0xF7A  }
0x26: {  	[smem:$0x3F9B] =	sst s1;
	(tag) =	ssettag s2;
	_ =	strace s9  }
0x27: {  	s1 =	sld [smem:$0x3FAB]  }
0x28: {  	s2 =	sld [smem:$0x3FAC]  }
0x29: {  	s4 =	sld [smem:$0x3FAE]  }
0x2a: {  	p0 =	seq.s32 s5, $0x0;
	s5 =	sld [smem:$0x3FAF]  }
0x2b: {  	s6 =	sld [smem:$0x3FB0]  }
0x2c: {  	s7 =	sld [smem:$0x3FB1]  }
0x2d: {  	s3 =	simm.s32 $0x108;
	s8 =	sld [smem:$0x3FB2]  }
0x2e: {  	s3 =	simm.s32 @!p0 $0x1082;
	s9 =	sld [smem:$0x3FB3]  }
0x2f: {  	lr =	sadd.s32 s0, s3;
	s0 =	sld [smem:$0x3FAA]  }
0x30: {  	s3 =	sld [smem:$0x3FAD]  }
0x31: {  	[smem:$0x3FB6] =	sst s10  }
0x32: {  	s10 =	sld [smem:$0x3FB4];
	_ =	sdelay $0x3  }
0x33: {  	p0 =	seq.s32 s10, $0x1;
	s10 =	sld [smem:$0x3FB6];
	_ =	sdelay $0x3  }
0x34: {  	[smem:$0x3FB6] =	sst s10  }
0x35: {  	s10 =	sld [smem:$0x3FB5];
	_ =	sdelay $0x3  }
0x36: {  	p1 =	seq.s32 s10, $0x1;
	s10 =	sld [smem:$0x3FB6];
	_ =	sdelay $0x3  }
0x37: {  	[smem:$0x3FB6] =	sst s10  }
0x38: {  	s10 =	sld [smem:$0x3FB7]  }
0x39: {  	_ = 	snop;
	(pc) =	sbr.ind lr, $3  }
0x3a: {  	_ = 	snop  }
0x3b: {  	_ = 	snop  }
0x3c: {  	p2 =	seq.s32 s10, $0x1;
	s10 =	sld [smem:$0x3FB6]  }
0x3d: {  	_ =	shalt  }
0x3e: {  	_ =	shalt  }
0x3f: {  	_ =	shalt  }
0x40: {  	_ =	shalt  }
0x41: {  	_ =	shalt  }
0x42: {  	_ =	shalt  }
0x43: {  	_ =	shalt  }
0x44: {  	_ =	shalt  }
0x45: {  	_ =	shalt  }
0x46: {  	_ =	shalt  }
0x47: {  	_ =	shalt  }
0x48: {  	_ =	shalt  }
0x49: {  	_ =	shalt  }
0x4a: {  	_ =	shalt  }
0x4b: {  	_ =	shalt  }
0x4c: {  	_ =	shalt  }
0x4d: {  	_ =	shalt  }
0x4e: {  	_ =	shalt  }
0x4f: {  	_ =	shalt  }
0x50: {  	_ =	shalt  }
0x51: {  	_ =	shalt  }
0x52: {  	_ =	shalt  }
0x53: {  	_ =	shalt  }
0x54: {  	_ =	shalt  }
0x55: {  	_ =	shalt  }
0x56: {  	_ =	shalt  }
0x57: {  	_ =	shalt  }
0x58: {  	_ =	shalt  }
0x59: {  	_ =	shalt  }
0x5a: {  	_ =	shalt  }
0x5b: {  	_ =	shalt  }
0x5c: {  	_ =	shalt  }
0x5d: {  	_ =	shalt  }
0x5e: {  	_ =	shalt  }
0x5f: {  	_ =	shalt  }
0x60: {  	_ =	shalt  }
0x61: {  	_ =	shalt  }
0x62: {  	_ =	shalt  }
0x63: {  	_ =	shalt  }
0x64: {  	_ =	shalt  }
0x65: {  	_ =	shalt  }
0x66: {  	_ =	shalt  }
0x67: {  	_ =	shalt  }
0x68: {  	_ =	shalt  }
0x69: {  	_ =	shalt  }
0x6a: {  	_ =	shalt  }
0x6b: {  	_ =	shalt  }
0x6c: {  	_ =	shalt  }
0x6d: {  	_ =	shalt  }
0x6e: {  	_ =	shalt  }
0x6f: {  	_ =	shalt  }
0x70: {  	_ =	shalt  }
0x71: {  	_ =	shalt  }
0x72: {  	_ =	shalt  }
0x73: {  	_ =	shalt  }
0x74: {  	_ =	shalt  }
0x75: {  	_ =	shalt  }
0x76: {  	_ =	shalt  }
0x77: {  	_ =	shalt  }
0x78: {  	_ =	shalt  }
0x79: {  	_ =	shalt  }
0x7a: {  	_ =	shalt  }
0x7b: {  	_ =	shalt  }
0x7c: {  	_ =	shalt  }
0x7d: {  	_ =	shalt  }
0x7e: {  	_ =	shalt  }
0x7f: {  	_ =	shalt  }
0x80: {  	_ =	shalt  }
0x81: {  	_ =	shalt  }
0x82: {  	_ =	shalt  }
0x83: {  	_ =	shalt  }
0x84: {  	_ =	shalt  }
0x85: {  	_ =	shalt  }
0x86: {  	_ =	shalt  }
0x87: {  	_ =	shalt  }
.Lfunc_end0:
.L_simem_size_0:
called_computation_lowered:
.L_overlay_start_0:
0x88: {  	s2 =	sld [smem:$0x3FD9]  }
0x89: {  	s3 =	sld [smem:$0x3FFE];
	_ =	sdelay $0x1  }
0x8a: {  	s1 =	srdreg.scid  }
0x8b: {  	s0 =	sand.u32 $0x1, s1  }
0x8c: {  	s16 =	sshll.u32 s0, $0xA;
	s2 =	sadd.s32 s3, s2  }
0x8d: {  	s2 =	sadd.s32 s2, s16  }
0x8e: {  	[smem:$0x3FC2] =	sst s2  }
0x8f: {  	_ = 	snop  }
0x90: {  	(tm) =	ssettm $0x1  }
0x91: {  	s17 =	sld [smem:$0x3FFB];
	_ =	sdelay $0x3  }
0x92: {  	_ =	strace s17  }
0x93: {  	s2 =	sld [smem:$0x3FFC];
	_ =	sdelay $0x3  }
0x94: {  	_ =	strace s2  }
0x95: {  	s2 =	sld [smem:$0x3FFD];
	_ =	sdelay $0x3  }
0x96: {  	_ =	strace s2  }
0x97: {  	_ =	strace $0x8FFFFFFF  }
0x98: {  	s18 =	sld [smem:$0x3FDB];
	_ =	sdelay $0x1  }
0x99: {  	s19 =	simm.s32 $_scs_section_size  }
0x9a: {  	s4 =	simm.s32 $_size__tile_overlayer_lowered;
	s5 =	simm.s32 $_tile_overlayer_lowered  }
0x9b: {  	s22 =	simm.s32 $0x1BFF;
	s21 =	sshll.u32 s5, $0x1;
	s2 =	sadd.s32 s19, s18  }
0x9c: {  	s6 =	simm.s32 $0x0;
	s20 =	sshll.u32 s4, $0x1;
	s4 =	sadd.s32 s21, s2  }
0x9d: {  	[timem:s6], [sflag:s22] =	dma.local [hbm:s4], s20  }
0x9e: {  	_ =	swait.ge [sflag:s22], s20  }
0x9f: {  	s3 =	ssub.s32 $0x0, s20;
	[sflag:s22] =	ssyncset.done $0x0  }
0xa0: {  	[sflag:s22] =	ssyncadd.s32 s3;
	_ =	sdelay $0x1  }
0xa1: {  	s23 =	simm.s32 $0x1B8B  }
0xa2: {  	_ =	swait.ge [sflag:s23], $0x1  }
0xa3: {  	[sflag:s23] =	ssyncset.done $0x0  }
0xa4: {  	s25 =	simm.s32 $0x1B8E;
	s24 =	sld [smem:$0x3FFE];
	[sflag:s23] =	ssyncadd.s32 $0xFFFFFFFF  }
0xa5: {  	s26 =	simm.s32 $execute0_lowered;
	[smem:$0x3FD2] =	sst s25  }
0xa6: {  	s4 =	sshll.u32 s26, $0x1;
	_ =	strace $0x80000046;
	[dreg:$0x1] =	wrdreg $0xFFFFFFFF  }
0xa7: {  	s28 =	simm.s32 $_size_execute0_lowered;
	s2 =	sadd.s32 s2, s4;
	[dreg:$0x0] =	wrdreg $0x0  }
0xa8: {  	s4 =	sshll.u32 s28, $0x1;
	[dreg:$0x2] =	wrdreg s2  }
0xa9: {  	[dreg:$0x3] =	wrdreg s4  }
0xaa: {  	[dreg:$0x4] =	wrdreg $0xC0  }
0xab: {  	_ =	task [dreg:s6], $0x5FFFF  }
0xac: {  	[dreg:$0x1] =	wrdreg $0xFFFFFFFF  }
0xad: {  	[dreg:$0x0] =	wrdreg $0x60  }
0xae: {  	[dreg:$0x2] =	wrdreg s24  }
0xaf: {  	[dreg:$0x3] =	wrdreg $0xAA000  }
0xb0: {  	[dreg:$0x4] =	wrdreg $0x9  }
0xb1: {  	_ =	task.clear_ibuf [dreg:s6], $0x5FFFF;
	_ =	strace $0x90000046  }
0xb2: {  	s29 =	simm.s32 $0x9;
	_ =	strace $0x80000048  }
0xb3: {  	_ =	swait.ge [sflag:s29], $0x1  }
0xb4: {  	[sflag:s29] =	ssyncadd.s32 $0xFFFFFFFF  }
0xb5: {  	_ =	strace $0x90000048  }
0xb6: {  	_ =	sfence  }
0xb7: {  	s30 =	sld [smem:$0x0];
	_ =	sdelay $0x2  }
0xb8: {  	s31 =	sshll.u32 s1, $0xD;
	s1 =	sshrl.u32 s1, $0x2  }
0xb9: {  	s3 =	sand.u32 $0x4000, s31;
	s1 =	sadd.s32 s1, s30  }
0xba: {  	s0 =	sor.u32 s3, s0;
	s1 =	sshll.u32 s1, $0x11  }
0xbb: {  	s0 =	sor.u32 s1, s0  }
0xbc: {  	s0 =	sadd.s32 $0x8F2B, s0  }
0xbd: {  	[sflag:s0] =	ssyncadd.remote.s32 $0x1  }
0xbe: {  	_ =	sfence.sel $0xFFFF  }
0xbf: {  	[dreg:$0x0] =	wrdreg $0xFFFFFFFF;
	(pc) =	sbr.abs _section_cstart, $3  }
0xc0: {  	[dreg:$0x1] =	wrdreg $0xFFFFFFFF  }
0xc1: {  	_ =	task.clear_ibuf [dreg:s6], $0x2FFFF;
	_ =	strace $0x9FFFFFFF  }
0xc2: {  	(tm) =	ssettm $0x7FFFFFFF  }
0xc3: {  	_ =	shalt  }
tec
execute0_lowered:
.L_overlay_start_1:
0x0: {  	(tag) =	ssettag $0x1  }
0x1: {  	s9 =	rddreg [dreg:$0x0]  }
0x2: {  	s0 =	srdreg.scid;
	s2 =	rddreg [dreg:$0x1]  }
0x3: {  	s3 =	simm.s32 $0x0;
	s16 =	simm.s32 $0x4F00;
	s19 =	simm.s32 $0x7A00  }
0x4: {  	s20 =	simm.s32 $0x4F80;
	s21 =	simm.s32 $0x5000;
	s10 =	sand.u32 $0x1, s0  }
0x5: {  	s22 =	simm.s32 $0x60;
	s0 =	stileid.u32;
	s4 =	smul.u32 $0x28800, s10  }
0x6: {  	s23 =	simm.s32 $0x5080;
	s24 =	simm.s32 $0x5180;
	s5 =	smul.u32 $0x2880, s0  }
0x7: {  	s25 =	simm.s32 $0x0;
	[smem:$0x7FF] =	sst s3;
	s12 =	smul.u32 $0x28000, s10  }
0x8: {  	s7 =	sadd.s32 $0x16400, s9;
	s8 =	sadd.s32 $0x16600, s9;
	s14 =	smul.u32 $0x2800, s0  }
0x9: {  	s6 =	sshll.u32 s10, $0x4;
	_ =	strace $0x80000047;
	s15 =	smul.u32 $0xA000, s0  }
0xa: {  	s10 =	ssub.s32 $0x2, s10;
	s17 =	sshll.u32 s0, $0x6;
	s29 =	sor.u32 s0, s6  }
0xb: {  	s6 =	sadd.s32 $0x15E00, s9;
	s31 =	sshrl.u32 s10, $0x1;
	s17 =	sor.u32 $0x1C01, s17  }
0xc: {  	s4 =	sadd.s32 s5, s4;
	s11 =	smul.u32 $0x2880, s29;
	s5 =	sadd.s32 $0x15800, s9  }
0xd: {  	s12 =	sadd.s32 s14, s12;
	s15 =	sshrl.u32 s15, $0x2;
	s14 =	ssub.s32 s10, s31  }
0xe: {  	v0 =	vlaneseq.u32;
	s30 =	sshrl.u32 s4, $0x3;
	s12 =	sshrl.u32 s12, $0x3;
	s18 =	sadd.s32 s15, s2  }
0xf: {  	v0 =	vmul.u32 $0x80, v0;
	s15 =	simm.s32 $0x2780;
	s13 =	sadd.s32 s30, s9;
	s11 =	sshrl.u32 s11, $0x3  }
0x10: {  	s12 =	sadd.s32 s12, s9;
	s18 =	sshrl.u32 s18, $0x3;
	s11 =	sadd.s32 s11, s9  }
0x11: {  	v1 =	vimm.f32 $0.0e+00;
	v2 =	vor.u32 $0x800, v0;
	v3 =	vor.u32 $0x1000, v0;
	s10 =	sadd.s32 $0x18E00, s12;
	s12 =	sadd.s32 $0x1400, s13;
	s13 =	sadd.s32 $0xB600, s13  }
0x12: {  	v4 =	vor.u32 $0x1800, v0;
	v5 =	vor.u32 $0x2000, v0;
	v6 =	vor.u32 $0x2800, v0;
	s9 =	sadd.s32 $0x22E00, s11;
	s11 =	smax.u32 s14, $0x1;
	s14 =	simm.s32 $0x1  }
.LBB2_1:
0x13: {  	[tilespmem:s3], [sflag:$0x1] =	stream.linear.gather [hbm4b:s5+s3], $0x2780, $0x38;
	[tilespmem:$0xD200] =	vst v63  }
0x14: {  	_ =	swait.ge [sflag:s14], $0x2780  }
0x15: {  	[sflag:s14] =	ssyncset.done $0x0  }
0x16: {  	[sflag:s14] =	ssyncadd.s32 $0xFFFFD880  }
0x17: {  	[tilespmem:s15], [sflag:$0x1] =	stream.linear.gather [hbm4b:s6+s3], $0x2780, $0x38;
	[tilespmem:$0xD200] =	vst v63  }
0x18: {  	_ =	swait.ge [sflag:s14], $0x2780  }
0x19: {  	[sflag:s14] =	ssyncset.done $0x0  }
0x1a: {  	[sflag:s14] =	ssyncadd.s32 $0xFFFFD880  }
0x1b: {  	[tilespmem:s16], [sflag:$0x1] =	stream.linear.gather [hbm4b:s7+s3], $0x80, $0x38;
	[tilespmem:$0xD200] =	vst v63  }
0x1c: {  	_ =	swait.ge [sflag:s14], $0x80  }
0x1d: {  	[sflag:s14] =	ssyncset.done $0x0  }
0x1e: {  	[sflag:s14] =	ssyncadd.s32 $0xFFFFFF80  }
0x1f: {  	[spmem:s18], [sflag:s17] =	dma.local [hbm:s8], $0x500  }
0x20: {  	_ =	swait.ge [sflag:s14], $0x500  }
0x21: {  	[sflag:s14] =	ssyncset.done $0x0  }
0x22: {  	[sflag:s14] =	ssyncadd.s32 $0xFFFFFB00  }
0x23: {  	[tilespmem:s19], [sflag:$0x1] =	stream.linear.gather [hbm4b:s8+s3], $0x3000, $0x38;
	[tilespmem:$0xD200] =	vst v63  }
0x24: {  	_ =	swait.ge [sflag:s14], $0x3000  }
0x25: {  	[sflag:s14] =	ssyncset.done $0x0  }
0x26: {  	s26 =	simm.s32 $0x51B0;
	s28 =	smov.u32 s13;
	[sflag:s14] =	ssyncadd.s32 $0xFFFFD000  }
0x27: {  	s29 =	smov.u32 s12;
	s30 =	simm.s32 $0x0;
	v7 =	vld [tilespmem:$0x4F00];
	[bflag:$0x0] =	sbarrier.arrive $0xFFFF  }
.LBB2_2:
0x28: {  	[tilespmem:s20], [sflag:$0x1] =	stream.linear.gather [hbm4b:s28+s3], $0x60, $0x38;
	[tilespmem:$0xD200] =	vst v63  }
0x29: {  	_ =	swait.ge [sflag:s14], $0x60  }
0x2a: {  	[sflag:s14] =	ssyncset.done $0x0  }
0x2b: {  	[sflag:s14] =	ssyncadd.s32 $0xFFFFFFA0  }
0x2c: {  	[tilespmem:s21], [sflag:$0x1] =	stream.linear.gather [hbm4b:s29+s3], $0x60, $0x38;
	[tilespmem:$0xD200] =	vst v63  }
0x2d: {  	_ =	swait.ge [sflag:s14], $0x60  }
0x2e: {  	[sflag:s14] =	ssyncset.done $0x0  }
0x2f: {  	[sflag:s14] =	ssyncadd.s32 $0xFFFFFFA0  }
0x30: {  	v8 =	vld [tilespmem:$0x4F80]  }
0x31: {  	v9 =	vld [tilespmem:$0x5000];
	_ =	sdelay $0x6  }
0x32: {  	v8 =	vld.idx.msk [tilespmem:v8+s3+$0x0], $0xffff  }
0x33: {  	v10 =	vld.idx.msk [tilespmem:v9+s15+$0x0], $0xffff;
	_ =	sdelay $0x4  }
0x34: {  	v8 =	vadd.f32 v10, v8;
	_ =	sdelay $0x1  }
0x35: {  	v10 =	vmul.f32 $2.000000030e-01, v8  }
0x36: {  	vm0 =	vge.f32 v8, $0.0e+00  }
0x37: {  	v8 =	vsel vm0, v8, v10  }
0x38: {  	v8 =	vsub.f32 v8, v7;
	_ =	sdelay $0x1  }
0x39: {  	v8 =	vmul.f32 $1.442695020e+00, v8;
	_ =	sdelay $0x1  }
0x3a: {  	(erf) = vpow2.f32 v8;
	_ =	sdelay $0x6  }
0x3b: {  	v8 =	vshll.u32 v9, $0x4  }
0x3c: {  	s31 =	sadd.s32 s30, s4;
	v8 =	vand.u32 $0x70, v8  }
0x3d: {  	p0 =	slt.u32 s31, $0x4E200;
	v11 =	vor.u32 v0, v8;
	v48 =	vpop (erf)  }
0x3e: {  	v10 =	vpsel !p0, $0x0, v48  }
0x3f: {  	v9 =	vshrl.u32 v9, $0x3;
	[tilespmem:s26+$0xFFFFFFD0] =	vst v10  }
0x40: {  	[tilespmem:$0x5080] =	vst v9  }
0x41: {  	[tilespmem:$0x5100] =	vst v8  }
0x42: {  	[tilespmem:v11+s19+$0x0] =	vst.idx.msk $0xffff, v10  }
0x43: {  	v8 =	vld [tilespmem:$0x4F90]  }
0x44: {  	v49 =	vld [tilespmem:$0x5010];
	_ =	sdelay $0x6  }
0x45: {  	v8 =	vld.idx.msk [tilespmem:v8+s3+$0x0], $0xffff  }
0x46: {  	v10 =	vld.idx.msk [tilespmem:v49+s15+$0x0], $0xffff;
	_ =	sdelay $0x4  }
0x47: {  	v8 =	vadd.f32 v10, v8;
	_ =	sdelay $0x1  }
0x48: {  	v10 =	vmul.f32 $2.000000030e-01, v8  }
0x49: {  	vm11 =	vge.f32 v8, $0.0e+00  }
0x4a: {  	v8 =	vsel vm11, v8, v10  }
0x4b: {  	v8 =	vsub.f32 v8, v7;
	_ =	sdelay $0x1  }
0x4c: {  	v8 =	vmul.f32 $1.442695020e+00, v8;
	_ =	sdelay $0x1  }
0x4d: {  	(erf) = vpow2.f32 v8;
	_ =	sdelay $0x6  }
0x4e: {  	v8 =	vshll.u32 v49, $0x4  }
0x4f: {  	s1 =	sadd.s32 $0x10, s31;
	v8 =	vand.u32 $0x70, v8  }
0x50: {  	p2 =	slt.u32 s1, $0x4E200;
	v51 =	vor.u32 v2, v8;
	v50 =	vpop (erf)  }
0x51: {  	v10 =	vpsel !p2, $0x0, v50  }
0x52: {  	v9 =	vshrl.u32 v49, $0x3;
	[tilespmem:s26+$0xFFFFFFE0] =	vst v10  }
0x53: {  	[tilespmem:$0x5090] =	vst v9  }
0x54: {  	[tilespmem:$0x5110] =	vst v8  }
0x55: {  	[tilespmem:v51+s19+$0x0] =	vst.idx.msk $0xffff, v10  }
0x56: {  	v8 =	vld [tilespmem:$0x4FA0]  }
0x57: {  	v52 =	vld [tilespmem:$0x5020];
	_ =	sdelay $0x6  }
0x58: {  	v8 =	vld.idx.msk [tilespmem:v8+s3+$0x0], $0xffff  }
0x59: {  	v10 =	vld.idx.msk [tilespmem:v52+s15+$0x0], $0xffff;
	_ =	sdelay $0x4  }
0x5a: {  	v8 =	vadd.f32 v10, v8;
	_ =	sdelay $0x1  }
0x5b: {  	v10 =	vmul.f32 $2.000000030e-01, v8  }
0x5c: {  	vm12 =	vge.f32 v8, $0.0e+00  }
0x5d: {  	v8 =	vsel vm12, v8, v10  }
0x5e: {  	v8 =	vsub.f32 v8, v7;
	_ =	sdelay $0x1  }
0x5f: {  	v8 =	vmul.f32 $1.442695020e+00, v8;
	_ =	sdelay $0x1  }
0x60: {  	(erf) = vpow2.f32 v8;
	_ =	sdelay $0x6  }
0x61: {  	v8 =	vshll.u32 v52, $0x4  }
0x62: {  	s1 =	sadd.s32 $0x20, s31;
	v8 =	vand.u32 $0x70, v8  }
0x63: {  	p3 =	slt.u32 s1, $0x4E200;
	v54 =	vor.u32 v3, v8;
	v53 =	vpop (erf)  }
0x64: {  	v10 =	vpsel !p3, $0x0, v53  }
0x65: {  	v9 =	vshrl.u32 v52, $0x3;
	[tilespmem:s26+$0xFFFFFFF0] =	vst v10  }
0x66: {  	[tilespmem:$0x50A0] =	vst v9  }
0x67: {  	[tilespmem:$0x5120] =	vst v8  }
0x68: {  	[tilespmem:v54+s19+$0x0] =	vst.idx.msk $0xffff, v10  }
0x69: {  	v8 =	vld [tilespmem:$0x4FB0]  }
0x6a: {  	v55 =	vld [tilespmem:$0x5030];
	_ =	sdelay $0x6  }
0x6b: {  	v8 =	vld.idx.msk [tilespmem:v8+s3+$0x0], $0xffff  }
0x6c: {  	v10 =	vld.idx.msk [tilespmem:v55+s15+$0x0], $0xffff;
	_ =	sdelay $0x4  }
0x6d: {  	v8 =	vadd.f32 v10, v8;
	_ =	sdelay $0x1  }
0x6e: {  	v10 =	vmul.f32 $2.000000030e-01, v8  }
0x6f: {  	vm13 =	vge.f32 v8, $0.0e+00  }
0x70: {  	v8 =	vsel vm13, v8, v10  }
0x71: {  	v8 =	vsub.f32 v8, v7;
	_ =	sdelay $0x1  }
0x72: {  	v8 =	vmul.f32 $1.442695020e+00, v8;
	_ =	sdelay $0x1  }
0x73: {  	(erf) = vpow2.f32 v8;
	_ =	sdelay $0x6  }
0x74: {  	v8 =	vshll.u32 v55, $0x4  }
0x75: {  	s1 =	sadd.s32 $0x30, s31;
	v8 =	vand.u32 $0x70, v8  }
0x76: {  	p4 =	slt.u32 s1, $0x4E200;
	v57 =	vor.u32 v4, v8;
	v56 =	vpop (erf)  }
0x77: {  	v10 =	vpsel !p4, $0x0, v56  }
0x78: {  	v9 =	vshrl.u32 v55, $0x3;
	[tilespmem:s26+$0x0] =	vst v10  }
0x79: {  	[tilespmem:$0x50B0] =	vst v9  }
0x7a: {  	[tilespmem:$0x5130] =	vst v8  }
0x7b: {  	[tilespmem:v57+s19+$0x0] =	vst.idx.msk $0xffff, v10  }
0x7c: {  	v8 =	vld [tilespmem:$0x4FC0]  }
0x7d: {  	v58 =	vld [tilespmem:$0x5040];
	_ =	sdelay $0x6  }
0x7e: {  	v8 =	vld.idx.msk [tilespmem:v8+s3+$0x0], $0xffff  }
0x7f: {  	v10 =	vld.idx.msk [tilespmem:v58+s15+$0x0], $0xffff;
	_ =	sdelay $0x4  }
0x80: {  	v8 =	vadd.f32 v10, v8;
	_ =	sdelay $0x1  }
0x81: {  	v10 =	vmul.f32 $2.000000030e-01, v8  }
0x82: {  	vm14 =	vge.f32 v8, $0.0e+00  }
0x83: {  	v8 =	vsel vm14, v8, v10  }
0x84: {  	v8 =	vsub.f32 v8, v7;
	_ =	sdelay $0x1  }
0x85: {  	v8 =	vmul.f32 $1.442695020e+00, v8;
	_ =	sdelay $0x1  }
0x86: {  	(erf) = vpow2.f32 v8;
	_ =	sdelay $0x6  }
0x87: {  	v8 =	vshll.u32 v58, $0x4  }
0x88: {  	s1 =	sadd.s32 $0x40, s31;
	v8 =	vand.u32 $0x70, v8  }
0x89: {  	p5 =	slt.u32 s1, $0x4E200;
	v60 =	vor.u32 v5, v8;
	v59 =	vpop (erf)  }
0x8a: {  	v10 =	vpsel !p5, $0x0, v59  }
0x8b: {  	v9 =	vshrl.u32 v58, $0x3;
	[tilespmem:s26+$0x10] =	vst v10  }
0x8c: {  	[tilespmem:$0x50C0] =	vst v9  }
0x8d: {  	[tilespmem:$0x5140] =	vst v8  }
0x8e: {  	[tilespmem:v60+s19+$0x0] =	vst.idx.msk $0xffff, v10  }
0x8f: {  	v8 =	vld [tilespmem:$0x4FD0]  }
0x90: {  	v61 =	vld [tilespmem:$0x5050];
	_ =	sdelay $0x6  }
0x91: {  	v8 =	vld.idx.msk [tilespmem:v8+s3+$0x0], $0xffff  }
0x92: {  	v10 =	vld.idx.msk [tilespmem:v61+s15+$0x0], $0xffff;
	_ =	sdelay $0x4  }
0x93: {  	v8 =	vadd.f32 v10, v8;
	_ =	sdelay $0x1  }
0x94: {  	v10 =	vmul.f32 $2.000000030e-01, v8  }
0x95: {  	vm15 =	vge.f32 v8, $0.0e+00  }
0x96: {  	v8 =	vsel vm15, v8, v10  }
0x97: {  	v8 =	vsub.f32 v8, v7;
	_ =	sdelay $0x1  }
0x98: {  	v8 =	vmul.f32 $1.442695020e+00, v8;
	_ =	sdelay $0x1  }
0x99: {  	(erf) = vpow2.f32 v8;
	_ =	sdelay $0x6  }
0x9a: {  	v8 =	vshll.u32 v61, $0x4  }
0x9b: {  	s31 =	sadd.s32 $0x50, s31;
	v8 =	vand.u32 $0x70, v8  }
0x9c: {  	p6 =	slt.u32 s31, $0x4E200;
	v63 =	vor.u32 v6, v8;
	v62 =	vpop (erf)  }
0x9d: {  	v10 =	vpsel !p6, $0x0, v62  }
0x9e: {  	v9 =	vshrl.u32 v61, $0x3;
	[tilespmem:s26+$0x20] =	vst v10  }
0x9f: {  	[tilespmem:$0x50D0] =	vst v9  }
0xa0: {  	[tilespmem:$0x5150] =	vst v8  }
0xa1: {  	[tilespmem:v63+s19+$0x0] =	vst.idx.msk $0xffff, v10  }
0xa2: {  	[spmem:s2] =	stream.indirect.scatter.add.f32 [tilespmem:s19], [sflag:$0x1], $0x80, s23, s22, $0xb8;
	[tilespmem:$0xD200] =	vst v63  }
0xa3: {  	_ =	swait.ge [sflag:s14], $0x3000  }
0xa4: {  	[sflag:s14] =	ssyncset.done $0x0  }
0xa5: {  	[sflag:s14] =	ssyncadd.s32 $0xFFFFD000  }
0xa6: {  	v8 =	vld [tilespmem:$0x5100];
	_ =	sdelay $0x4  }
0xa7: {  	v8 =	vadd.s32 v0, v8;
	_ =	sdelay $0x4  }
0xa8: {  	[tilespmem:v8+s19+$0x0] =	vst.idx.msk $0xffff, v1  }
0xa9: {  	v8 =	vld [tilespmem:$0x5110];
	_ =	sdelay $0x4  }
0xaa: {  	v8 =	vadd.s32 v2, v8;
	_ =	sdelay $0x4  }
0xab: {  	[tilespmem:v8+s19+$0x0] =	vst.idx.msk $0xffff, v1  }
0xac: {  	v8 =	vld [tilespmem:$0x5120];
	_ =	sdelay $0x4  }
0xad: {  	v8 =	vadd.s32 v3, v8;
	_ =	sdelay $0x4  }
0xae: {  	[tilespmem:v8+s19+$0x0] =	vst.idx.msk $0xffff, v1  }
0xaf: {  	v8 =	vld [tilespmem:$0x5130];
	_ =	sdelay $0x4  }
0xb0: {  	v8 =	vadd.s32 v4, v8;
	_ =	sdelay $0x4  }
0xb1: {  	[tilespmem:v8+s19+$0x0] =	vst.idx.msk $0xffff, v1  }
0xb2: {  	v8 =	vld [tilespmem:$0x5140];
	_ =	sdelay $0x4  }
0xb3: {  	v8 =	vadd.s32 v5, v8;
	_ =	sdelay $0x4  }
0xb4: {  	[tilespmem:v8+s19+$0x0] =	vst.idx.msk $0xffff, v1  }
0xb5: {  	v8 =	vld [tilespmem:$0x5150];
	_ =	sdelay $0x4  }
0xb6: {  	p0 =	sne.s32 s30, $0x2820;
	v8 =	vadd.s32 v6, v8  }
.Ltmp0:
0xb7: {  	_ = 	snop;
	(pc) =	sbr.rel @p0 .LBB2_2-.Ltmp0, $3  }
0xb8: {  	_ =	sdelay $0x1  }
0xb9: {  	s28 =	sadd.s32 $0xC, s28  }
0xba: {  	s29 =	sadd.s32 $0xC, s29;
	s30 =	sadd.s32 $0x60, s30;
	s26 =	sadd.s32 $0x60, s26;
	[tilespmem:v8+s19+$0x0] =	vst.idx.msk $0xffff, v1  }
0xbb: {  	[hbm4b:s9+s3] =	stream.linear.scatter [tilespmem:s24], [sflag:$0x1], $0x2880, $0x38;
	[tilespmem:$0xD200] =	vst v63  }
0xbc: {  	_ =	swait.ge [sflag:s14], $0x2880  }
0xbd: {  	s25 =	sadd.s32 $0x1, s25;
	[sflag:s14] =	ssyncset.done $0x0  }
0xbe: {  	p0 =	sne.s32 s25, s11;
	[sflag:s14] =	ssyncadd.s32 $0xFFFFD780  }
.Ltmp1:
0xbf: {  	[bflag:$0x0] =	sbarrier.arrive $0xFFFF;
	(pc) =	sbr.rel @p0 .LBB2_1-.Ltmp1, $4  }
0xc0: {  	[hbm:s10], [sflag:s17] =	dma.local [spmem:s18], $0x500  }
0xc1: {  	_ =	swait.ge [sflag:s14], $0x500  }
0xc2: {  	[sflag:s14] =	ssyncset.done $0x0  }
0xc3: {  	[sflag:s14] =	ssyncadd.s32 $0xFFFFFB00  }
0xc4: {  	_ =	sfence.sel $0x180000  }
0xc5: {  	[bflag:$0x0] =	sbarrier.arrive $0xFFFF  }
0xc6: {  	_ =	strace $0x90000047  }
0xc7: {  	[bflag:$0x2] =	sbarrier.arrive $0xFFFF  }
0xc8: {  	p0 =	sne.s32 s0, $0x0;
	s0 =	rddreg [dreg:$0x2]  }
0xc9: {  	s0 =	sadd.s32 @!p0 $0x100000, s0  }
0xca: {  	[sflag:s0] =	ssyncadd.tile.s32 @!p0 $0x1;
	_ =	shalt  }
.Lfunc_end2:
_tile_overlayer_lowered:
.L_overlay_start_2:
0xcb: {  	(tag) =	ssettag $0x2  }
0xcc: {  	s0 =	rddreg [dreg:$0x0];
	s2 =	stileid.u32  }
0xcd: {  	s1 =	rddreg [dreg:$0x1];
	p0 =	sne.s32 s2, $0x0  }
0xce: {  	s3 =	rddreg [dreg:$0x2];
	[bflag:$0x3] =	sbarrier.arrive $0xFFFF;
	s2 =	simm.s32 @!p0 $0x1C01  }
0xcf: {  	[timem:s3], [sflag:s2] =	dma.local @!p0 [hbm:s0], s1  }
0xd0: {  	s0 =	simm.s32 @!p0 $0x1  }
0xd1: {  	_ =	swait.ge @!p0 [sflag:s0], s1  }
0xd2: {  	s1 =	ssub.s32 @!p0 $0x0, s1;
	[sflag:s0] =	ssyncset.done @!p0 $0x0  }
0xd3: {  	[sflag:s0] =	ssyncadd.s32 @!p0 s1  }
0xd4: {  	[bflag:$0x3] =	sbarrier.arrive $0xFFFF  }
0xd5: {  	_ =	shalt  }

// kernel: kernel.9.cloned.1.call-start
scs
__scs_entry_jumppad:
0x0: {  	(pc) =	sbr.rel $0x88, $3  }
0x1: {  	(tag) =	ssettag $0x0;
	lr =	simm.s32 $0x1  }
0x2: {  	[smem:$0x3F9B] =	sst lr;
	_ =	strace $0xD0000000  }
0x3: {  	_ = 	snop  }
0x4: {  	_ = 	snop  }
0x5: {  	_ = 	snop  }
0x6: {  	_ = 	snop  }
0x7: {  	_ = 	snop  }
__scs_overlays_trampoline_lowered:
0x8: {  	[smem:$0x3FAA] =	sst s0  }
0x9: {  	[smem:$0x3FAB] =	sst s1  }
0xa: {  	[smem:$0x3FAC] =	sst s2  }
0xb: {  	[smem:$0x3FAD] =	sst s3  }
0xc: {  	[smem:$0x3FAE] =	sst s4  }
0xd: {  	[smem:$0x3FAF] =	sst s5  }
0xe: {  	[smem:$0x3FB0] =	sst s6  }
0xf: {  	[smem:$0x3FB1] =	sst s7  }
0x10: {  	[smem:$0x3FB2] =	sst s8  }
0x11: {  	[smem:$0x3FB3] =	sst s9;
	s0 =	simm.s32 @!p0 $0x0  }
0x12: {  	s1 =	sld [smem:$0x3F99];
	s0 =	simm.s32 @p0 $0x1  }
0x13: {  	[smem:$0x3FB4] =	sst s0;
	s0 =	simm.s32 @!p1 $0x0  }
0x14: {  	s2 =	sld [smem:$0x3F98];
	s0 =	simm.s32 @p1 $0x1  }
0x15: {  	[smem:$0x3FB5] =	sst s0;
	s0 =	simm.s32 @!p2 $0x0  }
0x16: {  	s3 =	sld [smem:$0x3FDB];
	s0 =	simm.s32 @p2 $0x1  }
0x17: {  	s4 =	simm.s32 $0x1BF5;
	[smem:$0x3FB7] =	sst s0  }
0x18: {  	s0 =	sld [smem:$0x3F9A];
	_ =	swait.ge [sflag:s4], $0x0  }
0x19: {  	s7 =	sld [smem:$0x3F9B]  }
0x1a: {  	s8 =	sadd.s32 $0xFFFFE003, lr  }
0x1b: {  	s9 =	sadd.s32 $0xFFFFFEF7, lr;
	s5 =	simm.s32 $0xFFFFFFFF;
	p2 =	slt.u32 s8, $0xFFFFF086  }
0x1c: {  	p1 =	slt.u32 s9, $0xF7A;
	s5 =	simm.s32 @!p2 $0x0  }
0x1d: {  	s5 =	simm.s32 @p1 $0x1;
	p0 =	seq.s32 s7, s2  }
0x1e: {  	s7 =	smul.u32 @!p0 $0xF7A, s2;
	p2 =	seq.s32 @!p0 s5, $0x0  }
0x1f: {  	s9 =	smul.u32 $0xF7A, s1;
	s8 =	simm.s32 @!p0 $0x1BF5;
	p2 =	por !p2, p0  }
0x20: {  	[sflag:s8] =	ssyncset.s32 @!p0 $0xFFFFF086;
	s6 =	sadd.s32 @!p0 s3, s7;
	s7 =	simm.s32 @!p0 $0x108  }
0x21: {  	s3 =	sadd.s32 s3, s9;
	s6 =	sadd.s32 @!p0 $0x88, s6;
	s7 =	simm.s32 @p2 $0x1082  }
0x22: {  	[simem:s7], [sflag:s8] =	dma.local @!p0 [hbm:s6], $0xF7A  }
0x23: {  	s9 =	sor.u32 $0xD0000000, s2;
	s6 =	simm.s32 $0x108;
	_ =	swait.ge @!p0 [sflag:s8], $0x0  }
0x24: {  	s3 =	sadd.s32 $0x88, s3;
	s6 =	simm.s32 @!p1 $0x1082;
	[sflag:s4] =	ssyncset.s32 $0xFFFFF086  }
0x25: {  	[simem:s6], [sflag:s4] =	dma.local [hbm:s3], $0xF7A  }
0x26: {  	[smem:$0x3F9B] =	sst s1;
	(tag) =	ssettag s2;
	_ =	strace s9  }
0x27: {  	s1 =	sld [smem:$0x3FAB]  }
0x28: {  	s2 =	sld [smem:$0x3FAC]  }
0x29: {  	s4 =	sld [smem:$0x3FAE]  }
0x2a: {  	p0 =	seq.s32 s5, $0x0;
	s5 =	sld [smem:$0x3FAF]  }
0x2b: {  	s6 =	sld [smem:$0x3FB0]  }
0x2c: {  	s7 =	sld [smem:$0x3FB1]  }
0x2d: {  	s3 =	simm.s32 $0x108;
	s8 =	sld [smem:$0x3FB2]  }
0x2e: {  	s3 =	simm.s32 @!p0 $0x1082;
	s9 =	sld [smem:$0x3FB3]  }
0x2f: {  	lr =	sadd.s32 s0, s3;
	s0 =	sld [smem:$0x3FAA]  }
0x30: {  	s3 =	sld [smem:$0x3FAD]  }
0x31: {  	[smem:$0x3FB6] =	sst s10  }
0x32: {  	s10 =	sld [smem:$0x3FB4];
	_ =	sdelay $0x3  }
0x33: {  	p0 =	seq.s32 s10, $0x1;
	s10 =	sld [smem:$0x3FB6];
	_ =	sdelay $0x3  }
0x34: {  	[smem:$0x3FB6] =	sst s10  }
0x35: {  	s10 =	sld [smem:$0x3FB5];
	_ =	sdelay $0x3  }
0x36: {  	p1 =	seq.s32 s10, $0x1;
	s10 =	sld [smem:$0x3FB6];
	_ =	sdelay $0x3  }
0x37: {  	[smem:$0x3FB6] =	sst s10  }
0x38: {  	s10 =	sld [smem:$0x3FB7]  }
0x39: {  	_ = 	snop;
	(pc) =	sbr.ind lr, $3  }
0x3a: {  	_ = 	snop  }
0x3b: {  	_ = 	snop  }
0x3c: {  	p2 =	seq.s32 s10, $0x1;
	s10 =	sld [smem:$0x3FB6]  }
0x3d: {  	_ =	shalt  }
0x3e: {  	_ =	shalt  }
0x3f: {  	_ =	shalt  }
0x40: {  	_ =	shalt  }
0x41: {  	_ =	shalt  }
0x42: {  	_ =	shalt  }
0x43: {  	_ =	shalt  }
0x44: {  	_ =	shalt  }
0x45: {  	_ =	shalt  }
0x46: {  	_ =	shalt  }
0x47: {  	_ =	shalt  }
0x48: {  	_ =	shalt  }
0x49: {  	_ =	shalt  }
0x4a: {  	_ =	shalt  }
0x4b: {  	_ =	shalt  }
0x4c: {  	_ =	shalt  }
0x4d: {  	_ =	shalt  }
0x4e: {  	_ =	shalt  }
0x4f: {  	_ =	shalt  }
0x50: {  	_ =	shalt  }
0x51: {  	_ =	shalt  }
0x52: {  	_ =	shalt  }
0x53: {  	_ =	shalt  }
0x54: {  	_ =	shalt  }
0x55: {  	_ =	shalt  }
0x56: {  	_ =	shalt  }
0x57: {  	_ =	shalt  }
0x58: {  	_ =	shalt  }
0x59: {  	_ =	shalt  }
0x5a: {  	_ =	shalt  }
0x5b: {  	_ =	shalt  }
0x5c: {  	_ =	shalt  }
0x5d: {  	_ =	shalt  }
0x5e: {  	_ =	shalt  }
0x5f: {  	_ =	shalt  }
0x60: {  	_ =	shalt  }
0x61: {  	_ =	shalt  }
0x62: {  	_ =	shalt  }
0x63: {  	_ =	shalt  }
0x64: {  	_ =	shalt  }
0x65: {  	_ =	shalt  }
0x66: {  	_ =	shalt  }
0x67: {  	_ =	shalt  }
0x68: {  	_ =	shalt  }
0x69: {  	_ =	shalt  }
0x6a: {  	_ =	shalt  }
0x6b: {  	_ =	shalt  }
0x6c: {  	_ =	shalt  }
0x6d: {  	_ =	shalt  }
0x6e: {  	_ =	shalt  }
0x6f: {  	_ =	shalt  }
0x70: {  	_ =	shalt  }
0x71: {  	_ =	shalt  }
0x72: {  	_ =	shalt  }
0x73: {  	_ =	shalt  }
0x74: {  	_ =	shalt  }
0x75: {  	_ =	shalt  }
0x76: {  	_ =	shalt  }
0x77: {  	_ =	shalt  }
0x78: {  	_ =	shalt  }
0x79: {  	_ =	shalt  }
0x7a: {  	_ =	shalt  }
0x7b: {  	_ =	shalt  }
0x7c: {  	_ =	shalt  }
0x7d: {  	_ =	shalt  }
0x7e: {  	_ =	shalt  }
0x7f: {  	_ =	shalt  }
0x80: {  	_ =	shalt  }
0x81: {  	_ =	shalt  }
0x82: {  	_ =	shalt  }
0x83: {  	_ =	shalt  }
0x84: {  	_ =	shalt  }
0x85: {  	_ =	shalt  }
0x86: {  	_ =	shalt  }
0x87: {  	_ =	shalt  }
.Lfunc_end0:
.L_simem_size_0:
called_computation.1_lowered:
.L_overlay_start_0:
0x88: {  	s2 =	sld [smem:$0x3FD9]  }
0x89: {  	s3 =	sld [smem:$0x3FFE];
	_ =	sdelay $0x1  }
0x8a: {  	s1 =	srdreg.scid  }
0x8b: {  	s0 =	sand.u32 $0x1, s1  }
0x8c: {  	s17 =	sshll.u32 s0, $0xA;
	s2 =	sadd.s32 s3, s2  }
0x8d: {  	s2 =	sadd.s32 s2, s17  }
0x8e: {  	[smem:$0x3FC2] =	sst s2  }
0x8f: {  	_ = 	snop  }
0x90: {  	s2 =	sld [smem:$0x3FD0];
	(tm) =	ssettm $0x1  }
0x91: {  	s18 =	sld [smem:$0x3FFB];
	_ =	sdelay $0x3  }
0x92: {  	_ =	strace s18  }
0x93: {  	s3 =	sld [smem:$0x3FFC];
	_ =	sdelay $0x3  }
0x94: {  	_ =	strace s3  }
0x95: {  	s3 =	sld [smem:$0x3FFD];
	_ =	sdelay $0x3  }
0x96: {  	_ =	strace s3  }
0x97: {  	_ =	strace $0x8FFFFFFF  }
0x98: {  	s19 =	sld [smem:$0x3FDB];
	_ =	sdelay $0x1  }
0x99: {  	s4 =	simm.s32 $_scs_section_size  }
0x9a: {  	s5 =	simm.s32 $_size__tile_overlayer_lowered;
	s6 =	simm.s32 $_tile_overlayer_lowered  }
0x9b: {  	s22 =	simm.s32 $0x1BFF;
	s21 =	sshll.u32 s6, $0x1;
	s3 =	sadd.s32 s4, s19  }
0x9c: {  	s7 =	simm.s32 $0x0;
	s20 =	sshll.u32 s5, $0x1;
	s5 =	sadd.s32 s21, s3  }
0x9d: {  	[timem:s7], [sflag:s22] =	dma.local [hbm:s5], s20  }
0x9e: {  	_ =	swait.ge [sflag:s22], s20  }
0x9f: {  	s4 =	ssub.s32 $0x0, s20;
	[sflag:s22] =	ssyncset.done $0x0  }
0xa0: {  	[sflag:s22] =	ssyncadd.s32 s4;
	_ =	sdelay $0x1  }
0xa1: {  	s23 =	simm.s32 $0x1B8B  }
0xa2: {  	_ =	swait.ge [sflag:s23], $0x1  }
0xa3: {  	[sflag:s23] =	ssyncset.done $0x0  }
0xa4: {  	s25 =	simm.s32 $0x1B8E;
	s24 =	sld [smem:$0x3FFE];
	[sflag:s23] =	ssyncadd.s32 $0xFFFFFFFF  }
0xa5: {  	s26 =	simm.s32 $execute0_lowered;
	[smem:$0x3FD2] =	sst s25  }
0xa6: {  	s5 =	sshll.u32 s26, $0x1;
	_ =	strace $0x80000049;
	[dreg:$0x1] =	wrdreg $0xFFFFFFFF  }
0xa7: {  	s28 =	simm.s32 $_size_execute0_lowered;
	s3 =	sadd.s32 s3, s5;
	[dreg:$0x0] =	wrdreg $0x0  }
0xa8: {  	s5 =	sshll.u32 s28, $0x1;
	[dreg:$0x2] =	wrdreg s3  }
0xa9: {  	[dreg:$0x3] =	wrdreg s5  }
0xaa: {  	[dreg:$0x4] =	wrdreg $0xC0  }
0xab: {  	_ =	task [dreg:s7], $0x5FFFF  }
0xac: {  	[dreg:$0x1] =	wrdreg $0xFFFFFFFF  }
0xad: {  	[dreg:$0x0] =	wrdreg $0x60  }
0xae: {  	[dreg:$0x2] =	wrdreg s24  }
0xaf: {  	[dreg:$0x3] =	wrdreg s2  }
0xb0: {  	[dreg:$0x4] =	wrdreg $0x63000  }
0xb1: {  	[dreg:$0x5] =	wrdreg $0x9  }
0xb2: {  	_ =	task.clear_ibuf [dreg:s7], $0x6FFFF;
	_ =	strace $0x90000049  }
0xb3: {  	s29 =	simm.s32 $0x9;
	_ =	strace $0x8000004B  }
0xb4: {  	_ =	swait.ge [sflag:s29], $0x1  }
0xb5: {  	[sflag:s29] =	ssyncadd.s32 $0xFFFFFFFF  }
0xb6: {  	_ =	strace $0x9000004B  }
0xb7: {  	_ =	sfence  }
0xb8: {  	s30 =	sld [smem:$0x0];
	_ =	sdelay $0x2  }
0xb9: {  	s31 =	sshll.u32 s1, $0xD;
	s1 =	sshrl.u32 s1, $0x2  }
0xba: {  	s3 =	sand.u32 $0x4000, s31;
	s1 =	sadd.s32 s1, s30  }
0xbb: {  	s0 =	sor.u32 s3, s0;
	s1 =	sshll.u32 s1, $0x11  }
0xbc: {  	s0 =	sor.u32 s1, s0  }
0xbd: {  	s0 =	sadd.s32 $0x8F2B, s0  }
0xbe: {  	[sflag:s0] =	ssyncadd.remote.s32 $0x1  }
0xbf: {  	_ =	sfence.sel $0xFFFF  }
0xc0: {  	[dreg:$0x0] =	wrdreg $0xFFFFFFFF;
	(pc) =	sbr.abs _section_cstart, $3  }
0xc1: {  	[dreg:$0x1] =	wrdreg $0xFFFFFFFF  }
0xc2: {  	_ =	task.clear_ibuf [dreg:s7], $0x2FFFF;
	_ =	strace $0x9FFFFFFF  }
0xc3: {  	(tm) =	ssettm $0x7FFFFFFF  }
tec
execute0_lowered:
.L_overlay_start_1:
0x0: {  	(tag) =	ssettag $0x1  }
0x1: {  	s0 =	rddreg [dreg:$0x0]  }
0x2: {  	s1 =	rddreg [dreg:$0x1]  }
0x3: {  	s2 =	rddreg [dreg:$0x2]  }
0x4: {  	s3 =	srdreg.scid;
	s4 =	simm.s32 $0x0;
	s13 =	stileid.u32  }
0x5: {  	s19 =	simm.s32 $0x5;
	s20 =	simm.s32 $0x60;
	s28 =	simm.s32 $0x180  }
0x6: {  	s29 =	simm.s32 $0x280;
	s30 =	simm.s32 $0x2;
	s31 =	simm.s32 $0x3  }
0x7: {  	s3 =	sand.u32 $0x1, s3;
	[smem:$0x7FF] =	sst s4;
	s9 =	smul.u32 $0x13C00, s13  }
0x8: {  	s5 =	sadd.s32 $0xB600, s0;
	s6 =	sadd.s32 $0x1400, s0;
	s7 =	sadd.s32 $0x22E00, s0  }
0x9: {  	s10 =	smul.u32 $0x4F000, s13;
	s22 =	sadd.s32 $0x16600, s0;
	s24 =	sshll.u32 s13, $0x6  }
0xa: {  	s8 =	smul.u32 $0x13C000, s3;
	_ =	strace $0x8000004A;
	s21 =	sshll.u32 s3, $0x4  }
0xb: {  	s3 =	ssub.s32 $0x2, s3;
	[dreg:$0x4] =	wrdreg s22;
	s22 =	simm.s32 $0x80  }
0xc: {  	s12 =	sshrl.u32 s3, $0x1;
	s23 =	sshrl.u32 s10, $0x2;
	s10 =	sor.u32 $0x1C05, s24  }
0xd: {  	s24 =	simm.s32 $0x100;
	s8 =	sadd.s32 s9, s8;
	s9 =	sor.u32 s13, s21  }
0xe: {  	s3 =	ssub.s32 s3, s12;
	s21 =	simm.s32 $0x300;
	[dreg:$0x5] =	wrdreg s10  }
0xf: {  	s11 =	sshrl.u32 s8, $0x3;
	s8 =	smul.u32 $0x2880, s9;
	s9 =	sadd.s32 s23, s2  }
0x10: {  	s26 =	smax.u32 s3, $0x1;
	s23 =	simm.s32 $0x3300;
	s3 =	simm.s32 $0x0  }
0x11: {  	s0 =	sadd.s32 s11, s0;
	[dreg:$0x9] =	wrdreg s26;
	s26 =	simm.s32 $0x1  }
.Ltmp0:
0x12: {  	s25 =	sshrl.u32 s8, $0x3;
	s0 =	sadd.s32 $0x2D000, s0;
	(pc) =	sbr.rel .LBB2_1-.Ltmp0, $4  }
0x13: {  	s13 =	sor.u32 $0x60, s8;
	s11 =	sadd.s32 s5, s25;
	[dreg:$0x8] =	wrdreg s0  }
0x14: {  	s14 =	sadd.s32 $0xC0, s8;
	[dreg:$0x6] =	wrdreg s11;
	s11 =	sadd.s32 $0xC, s11  }
0x15: {  	s15 =	sadd.s32 $0x120, s8;
	[dreg:$0x7] =	wrdreg s11;
	s11 =	sshrl.u32 s9, $0x3  }
0x16: {  	s25 =	simm.s32 $0x200;
	s0 =	simm.s32 $0x4;
	[dreg:$0xa] =	wrdreg s11  }
.LBB2_8:
0x17: {  	_ =	swait.ge [sflag:s0], $0x3000  }
0x18: {  	[sflag:s0] =	ssyncset.done $0x0  }
0x19: {  	[sflag:s0] =	ssyncadd.s32 $0xFFFFD000  }
0x1a: {  	[bflag:$0x0] =	sbarrier.arrive $0xFFFF  }
0x1b: {  	s10 =	rddreg [dreg:$0x5]  }
0x1c: {  	s9 =	rddreg [dreg:$0x8]  }
0x1d: {  	s11 =	rddreg [dreg:$0xa]  }
0x1e: {  	[hbm:s9], [sflag:s10] =	dma.local [spmem:s11], $0x2780  }
0x1f: {  	_ =	swait.ge [sflag:s19], $0x2780  }
0x20: {  	s3 =	sadd.s32 $0x1, s3;
	s18 =	rddreg [dreg:$0x9]  }
0x21: {  	p0 =	sne.s32 s3, s18  }
.Ltmp1:
0x22: {  	_ = 	snop;
	(pc) =	sbr.rel @!p0 .LBB2_9-.Ltmp1, $3  }
0x23: {  	_ =	sdelay $0x1  }
0x24: {  	[sflag:s19] =	ssyncset.done $0x0  }
0x25: {  	[sflag:s19] =	ssyncadd.s32 $0xFFFFD880  }
.LBB2_1:
0x26: {  	s9 =	rddreg [dreg:$0x4]  }
0x27: {  	[spmem:s11], [sflag:s10] =	dma.local [hbm:s9], $0x2780  }
0x28: {  	_ =	swait.ge [sflag:s19], $0x2780  }
0x29: {  	[sflag:s19] =	ssyncset.done $0x0  }
0x2a: {  	[sflag:s19] =	ssyncadd.s32 $0xFFFFD880  }
0x2b: {  	[bflag:$0x0] =	sbarrier.arrive $0xFFFF  }
0x2c: {  	s17 =	rddreg [dreg:$0x6]  }
0x2d: {  	[tilespmem:s4], [sflag:$0x5] =	stream.linear.gather [hbm4b:s17+s4], $0x60, $0x38;
	[tilespmem:$0x19F00] =	vst v63  }
0x2e: {  	_ =	swait.ge [sflag:s19], $0x60  }
0x2f: {  	[sflag:s19] =	ssyncset.done $0x0  }
0x30: {  	[sflag:s19] =	ssyncadd.s32 $0xFFFFFFA0  }
0x31: {  	[tilespmem:s21], [sflag:$0x1] =	stream.indirect.gather [hbm4b:s1+s20], $0x80, s4, s20, $0xb8;
	[tilespmem:$0x19F00] =	vst v63  }
0x32: {  	s18 =	rddreg [dreg:$0x7]  }
0x33: {  	[tilespmem:s22], [sflag:$0x5] =	stream.linear.gather [hbm4b:s18+s4], $0x60, $0x38;
	[tilespmem:$0x19F00] =	vst v63  }
0x34: {  	_ =	swait.ge [sflag:s19], $0x60  }
0x35: {  	[sflag:s19] =	ssyncset.done $0x0  }
0x36: {  	s9 =	simm.s32 $0x0;
	[sflag:s19] =	ssyncadd.s32 $0xFFFFFFA0  }
0x37: {  	[tilespmem:s23], [sflag:$0x2] =	stream.indirect.gather [hbm4b:s1+s20], $0x80, s22, s20, $0xb8;
	[tilespmem:$0x19F00] =	vst v63  }
.LBB2_2:
0x38: {  	s12 =	smul.u32 $0xC0, s9;
	_ =	sdelay $0x1  }
0x39: {  	s10 =	sadd.s32 s8, s12  }
0x3a: {  	s10 =	sshrl.u32 s10, $0x3  }
0x3b: {  	s11 =	sadd.s32 s6, s10  }
0x3c: {  	[tilespmem:s24], [sflag:$0x5] =	stream.linear.gather [hbm4b:s11+s4], $0x60, $0x38;
	[tilespmem:$0x19F00] =	vst v63  }
0x3d: {  	_ =	swait.ge [sflag:s19], $0x60  }
0x3e: {  	[sflag:s19] =	ssyncset.done $0x0  }
0x3f: {  	s16 =	simm.s32 $0x0;
	s10 =	sadd.s32 s7, s10;
	[sflag:s19] =	ssyncadd.s32 $0xFFFFFFA0  }
0x40: {  	v0 =	vmov s16;
	[tilespmem:s25], [sflag:$0x5] =	stream.linear.gather [hbm4b:s10+s4], $0x60, $0x38;
	[tilespmem:$0x19F00] =	vst v63  }
0x41: {  	v0 =	vand.u32 $0xFFFFFFFC, v0;
	_ =	swait.ge [sflag:s19], $0x60  }
0x42: {  	v0 =	vbroadcast v0, $0x0;
	[sflag:s19] =	ssyncset.done $0x0  }
0x43: {  	[sflag:s19] =	ssyncadd.s32 $0xFFFFFFA0  }
0x44: {  	_ =	swait.ge [sflag:s26], $0x3000  }
0x45: {  	[sflag:s26] =	ssyncset.done $0x0  }
0x46: {  	s16 =	simm.s32 $0x400;
	[sflag:s26] =	ssyncadd.s32 $0xFFFFD000  }
0x47: {  	v2 =	vld [tilespmem:s16+$0xFFFFFF70]  }
0x48: {  	v0 =	vld.idx.msk [tilespmem:v0+s25+$0x0], $0xffff  }
0x49: {  	v3 =	vld [tilespmem:s16+$0xFFFFFF00]  }
0x4a: {  	v4 =	vld [tilespmem:s16+$0xFFFFFF20]  }
0x4b: {  	v5 =	vld [tilespmem:s16+$0xFFFFFF30]  }
0x4c: {  	v1 =	vld [tilespmem:s16+$0xFFFFFF50]  }
0x4d: {  	v7 =	vld [tilespmem:s16+$0xFFFFFF10];
	v2 =	vmul.f32 v2, v0  }
0x4e: {  	s17 =	simm.s32 $0x1;
	v6 =	vld [tilespmem:s16+$0xFFFFFF60];
	v3 =	vmul.f32 v3, v0  }
0x4f: {  	v8 =	vld [tilespmem:s16+$0xFFFFFF40];
	v4 =	vmul.f32 v4, v0;
	[tilespmem:s16+$0xFFFFFF70] =	vst v2;
	v2 =	vmov s17  }
0x50: {  	v5 =	vmul.f32 v5, v0;
	[tilespmem:s16+$0xFFFFFF00] =	vst v3;
	v2 =	vand.u32 $0xFFFFFFFD, v2  }
0x51: {  	v1 =	vmul.f32 v1, v0;
	[tilespmem:s16+$0xFFFFFF20] =	vst v4;
	v2 =	vbroadcast v2, $0x0  }
0x52: {  	v3 =	vmul.f32 v7, v0;
	[tilespmem:s16+$0xFFFFFF30] =	vst v5  }
0x53: {  	v4 =	vmul.f32 v6, v0;
	[tilespmem:s16+$0xFFFFFF50] =	vst v1  }
0x54: {  	v0 =	vmul.f32 v8, v0;
	[tilespmem:s16+$0xFFFFFF10] =	vst v3  }
0x55: {  	[tilespmem:s16+$0xFFFFFF60] =	vst v4  }
0x56: {  	[tilespmem:s16+$0xFFFFFF40] =	vst v0;
	v0 =	vld [tilespmem:s16+$0xFFFFFF80]  }
0x57: {  	v2 =	vld.idx.msk [tilespmem:v2+s25+$0x0], $0xffff  }
0x58: {  	v1 =	vld [tilespmem:s16+$0xFFFFFFA0]  }
0x59: {  	v3 =	vld [tilespmem:s16+$0xFFFFFF90]  }
0x5a: {  	v4 =	vld [tilespmem:s16+$0xFFFFFFD0]  }
0x5b: {  	v5 =	vld [tilespmem:s16+$0xFFFFFFE0]  }
0x5c: {  	v6 =	vld [tilespmem:s16+$0xFFFFFFF0];
	v0 =	vmul.f32 v0, v2  }
0x5d: {  	s18 =	simm.s32 $0x2;
	v7 =	vld [tilespmem:s16+$0xFFFFFFB0];
	v1 =	vmul.f32 v1, v2  }
0x5e: {  	v8 =	vld [tilespmem:s16+$0xFFFFFFC0];
	v3 =	vmul.f32 v3, v2;
	[tilespmem:s16+$0xFFFFFF80] =	vst v0;
	v0 =	vmov s18  }
0x5f: {  	v4 =	vmul.f32 v4, v2;
	[tilespmem:s16+$0xFFFFFFA0] =	vst v1;
	v0 =	vand.u32 $0xFFFFFFFE, v0  }
0x60: {  	v1 =	vmul.f32 v5, v2;
	[tilespmem:s16+$0xFFFFFF90] =	vst v3;
	v3 =	vbroadcast v0, $0x0  }
0x61: {  	v5 =	vmul.f32 v6, v2;
	[tilespmem:s16+$0xFFFFFFD0] =	vst v4;
	v6 =	vld [tilespmem:s16+$0x30]  }
0x62: {  	v4 =	vmul.f32 v7, v2;
	v0 =	vld [tilespmem:s16+$0x40];
	[tilespmem:s16+$0xFFFFFFE0] =	vst v1  }
0x63: {  	v2 =	vmul.f32 v8, v2;
	v1 =	vld [tilespmem:s16+$0x70];
	[tilespmem:s16+$0xFFFFFFF0] =	vst v5  }
0x64: {  	[tilespmem:s16+$0xFFFFFFB0] =	vst v4;
	v4 =	vld [tilespmem:s16+$0x20]  }
0x65: {  	[tilespmem:s16+$0xFFFFFFC0] =	vst v2;
	v5 =	vld [tilespmem:s16+$0x0]  }
0x66: {  	v2 =	vld.idx.msk [tilespmem:v3+s25+$0x0], $0xffff  }
0x67: {  	s11 =	simm.s32 $0x7;
	s10 =	simm.s32 $0x400;
	s17 =	simm.s32 $0x3;
	v3 =	vld [tilespmem:s16+$0x10]  }
.LBB2_3:
0x68: {  	p0 =	sne.s32 s11, $0x5F  }
0x69: {  	v7 =	vld [tilespmem:s16+$0x50];
	s10 =	sadd.s32 $0x200, s10;
	s18 =	smov.u32 s11;
	s11 =	sadd.s32 $0x4, s11  }
0x6a: {  	v8 =	vld [tilespmem:s16+$0x60];
	_ =	sdelay $0x1  }
0x6b: {  	v5 =	vmul.f32 v5, v2;
	v3 =	vmul.f32 v3, v2  }
0x6c: {  	v4 =	vmul.f32 v4, v2;
	v6 =	vmul.f32 v6, v2  }
0x6d: {  	v0 =	vmul.f32 v0, v2;
	v1 =	vmul.f32 v1, v2;
	[tilespmem:s16+$0x0] =	vst v5  }
0x6e: {  	[tilespmem:s16+$0x20] =	vst v4;
	v4 =	vmul.f32 v7, v2;
	v2 =	vmul.f32 v8, v2  }
0x6f: {  	[tilespmem:s16+$0x30] =	vst v6;
	v5 =	vld [tilespmem:s16+$0x80]  }
0x70: {  	[tilespmem:s16+$0x60] =	vst v2;
	v2 =	vmov s17;
	v6 =	vld [tilespmem:s16+$0xD0];
	s17 =	smov.u32 s18  }
0x71: {  	[tilespmem:s16+$0x50] =	vst v4;
	v4 =	vld [tilespmem:s16+$0xE0]  }
0x72: {  	[tilespmem:s16+$0x40] =	vst v0;
	v7 =	vld [tilespmem:s16+$0xB0]  }
0x73: {  	v0 =	vld [tilespmem:s10+$0x40];
	[tilespmem:s16+$0x70] =	vst v1  }
0x74: {  	v1 =	vld [tilespmem:s10+$0x70];
	[tilespmem:s16+$0x10] =	vst v3  }
0x75: {  	v2 =	vld.idx.msk [tilespmem:v2+s25+$0x0], $0xffff  }
0x76: {  	v3 =	vld [tilespmem:s16+$0x90]  }
0x77: {  	v8 =	vld [tilespmem:s16+$0xA0]  }
0x78: {  	v9 =	vld [tilespmem:s16+$0xC0]  }
0x79: {  	v10 =	vld [tilespmem:s16+$0xF0];
	_ =	sdelay $0x1  }
0x7a: {  	v5 =	vmul.f32 v5, v2;
	v3 =	vmul.f32 v3, v2  }
0x7b: {  	s18 =	sadd.s32 $0xFFFFFFFD, s17;
	v7 =	vmul.f32 v7, v2;
	v8 =	vmul.f32 v8, v2  }
0x7c: {  	v11 =	vmov s18;
	v6 =	vmul.f32 v6, v2;
	[tilespmem:s16+$0x80] =	vst v5;
	v5 =	vmul.f32 v9, v2  }
0x7d: {  	v9 =	vand.u32 $0xFFFFFFFC, v11;
	[tilespmem:s16+$0x90] =	vst v3;
	v3 =	vmul.f32 v4, v2;
	v2 =	vmul.f32 v10, v2  }
0x7e: {  	v4 =	vbroadcast v9, $0x0;
	[tilespmem:s16+$0xA0] =	vst v8  }
0x7f: {  	[tilespmem:s16+$0xD0] =	vst v6  }
0x80: {  	v6 =	vld [tilespmem:s10+$0xFFFFFF50];
	[tilespmem:s16+$0xB0] =	vst v7  }
0x81: {  	v7 =	vld [tilespmem:s10+$0xFFFFFF30];
	[tilespmem:s16+$0xC0] =	vst v5  }
0x82: {  	v5 =	vld [tilespmem:s10+$0xFFFFFF60];
	[tilespmem:s16+$0xE0] =	vst v3  }
0x83: {  	v3 =	vld [tilespmem:s10+$0xFFFFFF70];
	[tilespmem:s16+$0xF0] =	vst v2;
	s16 =	smov.u32 s10  }
0x84: {  	v2 =	vld.idx.msk [tilespmem:v4+s25+$0x0], $0xffff  }
0x85: {  	v4 =	vld [tilespmem:s10+$0xFFFFFF00]  }
0x86: {  	v8 =	vld [tilespmem:s10+$0xFFFFFF20]  }
0x87: {  	v9 =	vld [tilespmem:s10+$0xFFFFFF10]  }
0x88: {  	v10 =	vld [tilespmem:s10+$0xFFFFFF40];
	_ =	sdelay $0x1  }
0x89: {  	v3 =	vmul.f32 v3, v2;
	v4 =	vmul.f32 v4, v2  }
0x8a: {  	s18 =	sadd.s32 $0xFFFFFFFE, s17;
	v5 =	vmul.f32 v5, v2;
	v8 =	vmul.f32 v8, v2  }
0x8b: {  	v7 =	vmul.f32 v7, v2;
	v9 =	vmul.f32 v9, v2;
	[tilespmem:s10+$0xFFFFFF70] =	vst v3;
	v3 =	vmov s18  }
0x8c: {  	[tilespmem:s10+$0xFFFFFF00] =	vst v4;
	v4 =	vmul.f32 v10, v2;
	v2 =	vmul.f32 v6, v2;
	v3 =	vand.u32 $0xFFFFFFFD, v3  }
0x8d: {  	[tilespmem:s10+$0xFFFFFF20] =	vst v8;
	v3 =	vbroadcast v3, $0x0  }
0x8e: {  	[tilespmem:s10+$0xFFFFFF30] =	vst v7  }
0x8f: {  	[tilespmem:s10+$0xFFFFFF50] =	vst v2;
	v2 =	vld [tilespmem:s10+$0xFFFFFFF0]  }
0x90: {  	[tilespmem:s10+$0xFFFFFF10] =	vst v9;
	v6 =	vld [tilespmem:s10+$0xFFFFFFD0]  }
0x91: {  	[tilespmem:s10+$0xFFFFFF60] =	vst v5;
	v5 =	vld [tilespmem:s10+$0xFFFFFFB0]  }
0x92: {  	[tilespmem:s10+$0xFFFFFF40] =	vst v4;
	v4 =	vld [tilespmem:s10+$0xFFFFFF90]  }
0x93: {  	v3 =	vld.idx.msk [tilespmem:v3+s25+$0x0], $0xffff  }
0x94: {  	v7 =	vld [tilespmem:s10+$0xFFFFFF80]  }
0x95: {  	v8 =	vld [tilespmem:s10+$0xFFFFFFA0]  }
0x96: {  	v9 =	vld [tilespmem:s10+$0xFFFFFFC0]  }
0x97: {  	v10 =	vld [tilespmem:s10+$0xFFFFFFE0];
	_ =	sdelay $0x1  }
0x98: {  	v4 =	vmul.f32 v4, v3;
	v7 =	vmul.f32 v7, v3  }
0x99: {  	s18 =	sadd.s32 $0xFFFFFFFF, s17;
	v5 =	vmul.f32 v5, v3;
	v8 =	vmul.f32 v8, v3  }
0x9a: {  	v6 =	vmul.f32 v6, v3;
	[tilespmem:s10+$0xFFFFFF80] =	vst v7;
	v7 =	vmul.f32 v9, v3;
	v9 =	vmov s18  }
0x9b: {  	v2 =	vmul.f32 v2, v3;
	[tilespmem:s10+$0xFFFFFFA0] =	vst v8;
	v8 =	vmul.f32 v10, v3;
	v3 =	vand.u32 $0xFFFFFFFE, v9  }
0x9c: {  	[tilespmem:s10+$0xFFFFFF90] =	vst v4;
	v3 =	vbroadcast v3, $0x0  }
0x9d: {  	[tilespmem:s10+$0xFFFFFFD0] =	vst v6  }
0x9e: {  	[tilespmem:s10+$0xFFFFFFE0] =	vst v8  }
0x9f: {  	[tilespmem:s10+$0xFFFFFFB0] =	vst v5  }
.Ltmp2:
0xa0: {  	[tilespmem:s10+$0xFFFFFFF0] =	vst v2;
	v4 =	vld [tilespmem:s10+$0x20];
	(pc) =	sbr.rel @p0 .LBB2_3-.Ltmp2, $4  }
0xa1: {  	[tilespmem:s10+$0xFFFFFFC0] =	vst v7;
	v5 =	vld [tilespmem:s10+$0x0]  }
0xa2: {  	v2 =	vld.idx.msk [tilespmem:v3+s25+$0x0], $0xffff  }
0xa3: {  	v3 =	vld [tilespmem:s10+$0x10]  }
0xa4: {  	v6 =	vld [tilespmem:s10+$0x30]  }
0xa5: {  	v7 =	vld [tilespmem:s16+$0x60];
	_ =	sdelay $0x1  }
0xa6: {  	v5 =	vmul.f32 v5, v2  }
0xa7: {  	v8 =	vld [tilespmem:s16+$0x50];
	v4 =	vmul.f32 v4, v2  }
0xa8: {  	v0 =	vmul.f32 v0, v2;
	[tilespmem:s16+$0x0] =	vst v5  }
0xa9: {  	[tilespmem:s16+$0x20] =	vst v4;
	v4 =	vmul.f32 v7, v2  }
0xaa: {  	v1 =	vmul.f32 v1, v2;
	[tilespmem:s16+$0x40] =	vst v0  }
0xab: {  	v6 =	vmul.f32 v6, v2;
	[tilespmem:s16+$0x60] =	vst v4;
	v4 =	vmov s17  }
0xac: {  	[tilespmem:s16+$0x70] =	vst v1;
	v5 =	vmul.f32 v8, v2  }
0xad: {  	v2 =	vmul.f32 v3, v2;
	[tilespmem:s16+$0x30] =	vst v6  }
0xae: {  	[tilespmem:s16+$0x50] =	vst v5  }
0xaf: {  	v6 =	vld [tilespmem:s16+$0x80];
	[tilespmem:s16+$0x10] =	vst v2  }
0xb0: {  	v0 =	vld.idx.msk [tilespmem:v4+s25+$0x0], $0xffff  }
0xb1: {  	v1 =	vld [tilespmem:s16+$0x90]  }
0xb2: {  	v2 =	vld [tilespmem:s16+$0xA0]  }
0xb3: {  	v3 =	vld [tilespmem:s16+$0xD0]  }
0xb4: {  	v4 =	vld [tilespmem:s16+$0xB0]  }
0xb5: {  	v5 =	vld [tilespmem:s16+$0xC0];
	v6 =	vmul.f32 v6, v0  }
0xb6: {  	v7 =	vld [tilespmem:s16+$0xE0];
	v1 =	vmul.f32 v1, v0  }
0xb7: {  	v8 =	vld [tilespmem:s16+$0xF0];
	v2 =	vmul.f32 v2, v0;
	[tilespmem:s16+$0x80] =	vst v6  }
0xb8: {  	v3 =	vmul.f32 v3, v0;
	[tilespmem:s16+$0x90] =	vst v1  }
0xb9: {  	v1 =	vmul.f32 v4, v0;
	[tilespmem:s16+$0xA0] =	vst v2  }
0xba: {  	v2 =	vmul.f32 v5, v0;
	[tilespmem:s16+$0xD0] =	vst v3  }
0xbb: {  	v3 =	vmul.f32 v7, v0;
	[tilespmem:s16+$0xB0] =	vst v1  }
0xbc: {  	v0 =	vmul.f32 v8, v0;
	[tilespmem:s16+$0xC0] =	vst v2  }
0xbd: {  	s10 =	sadd.s32 s12, s13;
	[tilespmem:s16+$0xE0] =	vst v3  }
0xbe: {  	s10 =	sshrl.u32 s10, $0x3;
	[tilespmem:s16+$0xF0] =	vst v0  }
0xbf: {  	[spmem:s2] =	stream.indirect.scatter.add.f32 [tilespmem:s21], [sflag:$0x3], $0x80, s24, s20, $0xb8;
	[tilespmem:$0x19F00] =	vst v63  }
0xc0: {  	s11 =	sadd.s32 s6, s10  }
0xc1: {  	[tilespmem:s28], [sflag:$0x5] =	stream.linear.gather [hbm4b:s11+s4], $0x60, $0x38;
	[tilespmem:$0x19F00] =	vst v63  }
0xc2: {  	_ =	swait.ge [sflag:s19], $0x60  }
0xc3: {  	[sflag:s19] =	ssyncset.done $0x0  }
0xc4: {  	s10 =	sadd.s32 s7, s10;
	s16 =	simm.s32 $0x0;
	[sflag:s19] =	ssyncadd.s32 $0xFFFFFFA0  }
0xc5: {  	v0 =	vmov s16;
	[tilespmem:s29], [sflag:$0x5] =	stream.linear.gather [hbm4b:s10+s4], $0x60, $0x38;
	[tilespmem:$0x19F00] =	vst v63  }
0xc6: {  	v0 =	vand.u32 $0xFFFFFFFC, v0;
	_ =	swait.ge [sflag:s19], $0x60  }
0xc7: {  	v0 =	vbroadcast v0, $0x0;
	[sflag:s19] =	ssyncset.done $0x0  }
0xc8: {  	[sflag:s19] =	ssyncadd.s32 $0xFFFFFFA0  }
0xc9: {  	_ =	swait.ge [sflag:s30], $0x3000  }
0xca: {  	[sflag:s30] =	ssyncset.done $0x0  }
0xcb: {  	s16 =	simm.s32 $0x3400;
	[sflag:s30] =	ssyncadd.s32 $0xFFFFD000  }
0xcc: {  	v2 =	vld [tilespmem:s16+$0xFFFFFF70]  }
0xcd: {  	v0 =	vld.idx.msk [tilespmem:v0+s29+$0x0], $0xffff  }
0xce: {  	v3 =	vld [tilespmem:s16+$0xFFFFFF00]  }
0xcf: {  	v4 =	vld [tilespmem:s16+$0xFFFFFF20]  }
0xd0: {  	v5 =	vld [tilespmem:s16+$0xFFFFFF30]  }
0xd1: {  	v1 =	vld [tilespmem:s16+$0xFFFFFF50]  }
0xd2: {  	v7 =	vld [tilespmem:s16+$0xFFFFFF10];
	v2 =	vmul.f32 v2, v0  }
0xd3: {  	s17 =	simm.s32 $0x1;
	v6 =	vld [tilespmem:s16+$0xFFFFFF60];
	v3 =	vmul.f32 v3, v0  }
0xd4: {  	v8 =	vld [tilespmem:s16+$0xFFFFFF40];
	v4 =	vmul.f32 v4, v0;
	[tilespmem:s16+$0xFFFFFF70] =	vst v2;
	v2 =	vmov s17  }
0xd5: {  	v5 =	vmul.f32 v5, v0;
	[tilespmem:s16+$0xFFFFFF00] =	vst v3;
	v2 =	vand.u32 $0xFFFFFFFD, v2  }
0xd6: {  	v1 =	vmul.f32 v1, v0;
	[tilespmem:s16+$0xFFFFFF20] =	vst v4;
	v2 =	vbroadcast v2, $0x0  }
0xd7: {  	v3 =	vmul.f32 v7, v0;
	[tilespmem:s16+$0xFFFFFF30] =	vst v5  }
0xd8: {  	v4 =	vmul.f32 v6, v0;
	[tilespmem:s16+$0xFFFFFF50] =	vst v1  }
0xd9: {  	v0 =	vmul.f32 v8, v0;
	[tilespmem:s16+$0xFFFFFF10] =	vst v3  }
0xda: {  	[tilespmem:s16+$0xFFFFFF60] =	vst v4  }
0xdb: {  	[tilespmem:s16+$0xFFFFFF40] =	vst v0;
	v0 =	vld [tilespmem:s16+$0xFFFFFF80]  }
0xdc: {  	v2 =	vld.idx.msk [tilespmem:v2+s29+$0x0], $0xffff  }
0xdd: {  	v1 =	vld [tilespmem:s16+$0xFFFFFFA0]  }
0xde: {  	v3 =	vld [tilespmem:s16+$0xFFFFFF90]  }
0xdf: {  	v4 =	vld [tilespmem:s16+$0xFFFFFFD0]  }
0xe0: {  	v5 =	vld [tilespmem:s16+$0xFFFFFFE0]  }
0xe1: {  	v6 =	vld [tilespmem:s16+$0xFFFFFFF0];
	v0 =	vmul.f32 v0, v2  }
0xe2: {  	s18 =	simm.s32 $0x2;
	v7 =	vld [tilespmem:s16+$0xFFFFFFB0];
	v1 =	vmul.f32 v1, v2  }
0xe3: {  	v8 =	vld [tilespmem:s16+$0xFFFFFFC0];
	v3 =	vmul.f32 v3, v2;
	[tilespmem:s16+$0xFFFFFF80] =	vst v0;
	v0 =	vmov s18  }
0xe4: {  	v4 =	vmul.f32 v4, v2;
	[tilespmem:s16+$0xFFFFFFA0] =	vst v1;
	v0 =	vand.u32 $0xFFFFFFFE, v0  }
0xe5: {  	v1 =	vmul.f32 v5, v2;
	[tilespmem:s16+$0xFFFFFF90] =	vst v3;
	v3 =	vbroadcast v0, $0x0  }
0xe6: {  	v5 =	vmul.f32 v6, v2;
	[tilespmem:s16+$0xFFFFFFD0] =	vst v4;
	v6 =	vld [tilespmem:s16+$0x30]  }
0xe7: {  	v4 =	vmul.f32 v7, v2;
	v0 =	vld [tilespmem:s16+$0x40];
	[tilespmem:s16+$0xFFFFFFE0] =	vst v1  }
0xe8: {  	v2 =	vmul.f32 v8, v2;
	v1 =	vld [tilespmem:s16+$0x70];
	[tilespmem:s16+$0xFFFFFFF0] =	vst v5  }
0xe9: {  	[tilespmem:s16+$0xFFFFFFB0] =	vst v4;
	v4 =	vld [tilespmem:s16+$0x20]  }
0xea: {  	[tilespmem:s16+$0xFFFFFFC0] =	vst v2;
	v5 =	vld [tilespmem:s16+$0x0]  }
0xeb: {  	v2 =	vld.idx.msk [tilespmem:v3+s29+$0x0], $0xffff  }
0xec: {  	s11 =	simm.s32 $0x7;
	s10 =	simm.s32 $0x3400;
	s17 =	simm.s32 $0x3;
	v3 =	vld [tilespmem:s16+$0x10]  }
.LBB2_5:
0xed: {  	p0 =	sne.s32 s11, $0x5F  }
0xee: {  	v7 =	vld [tilespmem:s16+$0x50];
	s10 =	sadd.s32 $0x200, s10;
	s18 =	smov.u32 s11;
	s11 =	sadd.s32 $0x4, s11  }
0xef: {  	v8 =	vld [tilespmem:s16+$0x60];
	_ =	sdelay $0x1  }
0xf0: {  	v5 =	vmul.f32 v5, v2;
	v3 =	vmul.f32 v3, v2  }
0xf1: {  	v4 =	vmul.f32 v4, v2;
	v6 =	vmul.f32 v6, v2  }
0xf2: {  	v0 =	vmul.f32 v0, v2;
	v1 =	vmul.f32 v1, v2;
	[tilespmem:s16+$0x0] =	vst v5  }
0xf3: {  	[tilespmem:s16+$0x20] =	vst v4;
	v4 =	vmul.f32 v7, v2;
	v2 =	vmul.f32 v8, v2  }
0xf4: {  	[tilespmem:s16+$0x30] =	vst v6;
	v5 =	vld [tilespmem:s16+$0x80]  }
0xf5: {  	[tilespmem:s16+$0x60] =	vst v2;
	v2 =	vmov s17;
	v6 =	vld [tilespmem:s16+$0xD0];
	s17 =	smov.u32 s18  }
0xf6: {  	[tilespmem:s16+$0x50] =	vst v4;
	v4 =	vld [tilespmem:s16+$0xE0]  }
0xf7: {  	[tilespmem:s16+$0x40] =	vst v0;
	v7 =	vld [tilespmem:s16+$0xB0]  }
0xf8: {  	v0 =	vld [tilespmem:s10+$0x40];
	[tilespmem:s16+$0x70] =	vst v1  }
0xf9: {  	v1 =	vld [tilespmem:s10+$0x70];
	[tilespmem:s16+$0x10] =	vst v3  }
0xfa: {  	v2 =	vld.idx.msk [tilespmem:v2+s29+$0x0], $0xffff  }
0xfb: {  	v3 =	vld [tilespmem:s16+$0x90]  }
0xfc: {  	v8 =	vld [tilespmem:s16+$0xA0]  }
0xfd: {  	v9 =	vld [tilespmem:s16+$0xC0]  }
0xfe: {  	v10 =	vld [tilespmem:s16+$0xF0];
	_ =	sdelay $0x1  }
0xff: {  	v5 =	vmul.f32 v5, v2;
	v3 =	vmul.f32 v3, v2  }
0x100: {  	s18 =	sadd.s32 $0xFFFFFFFD, s17;
	v7 =	vmul.f32 v7, v2;
	v8 =	vmul.f32 v8, v2  }
0x101: {  	v11 =	vmov s18;
	v6 =	vmul.f32 v6, v2;
	[tilespmem:s16+$0x80] =	vst v5;
	v5 =	vmul.f32 v9, v2  }
0x102: {  	v9 =	vand.u32 $0xFFFFFFFC, v11;
	[tilespmem:s16+$0x90] =	vst v3;
	v3 =	vmul.f32 v4, v2;
	v2 =	vmul.f32 v10, v2  }
0x103: {  	v4 =	vbroadcast v9, $0x0;
	[tilespmem:s16+$0xA0] =	vst v8  }
0x104: {  	[tilespmem:s16+$0xD0] =	vst v6  }
0x105: {  	v6 =	vld [tilespmem:s10+$0xFFFFFF50];
	[tilespmem:s16+$0xB0] =	vst v7  }
0x106: {  	v7 =	vld [tilespmem:s10+$0xFFFFFF30];
	[tilespmem:s16+$0xC0] =	vst v5  }
0x107: {  	v5 =	vld [tilespmem:s10+$0xFFFFFF60];
	[tilespmem:s16+$0xE0] =	vst v3  }
0x108: {  	v3 =	vld [tilespmem:s10+$0xFFFFFF70];
	[tilespmem:s16+$0xF0] =	vst v2;
	s16 =	smov.u32 s10  }
0x109: {  	v2 =	vld.idx.msk [tilespmem:v4+s29+$0x0], $0xffff  }
0x10a: {  	v4 =	vld [tilespmem:s10+$0xFFFFFF00]  }
0x10b: {  	v8 =	vld [tilespmem:s10+$0xFFFFFF20]  }
0x10c: {  	v9 =	vld [tilespmem:s10+$0xFFFFFF10]  }
0x10d: {  	v10 =	vld [tilespmem:s10+$0xFFFFFF40];
	_ =	sdelay $0x1  }
0x10e: {  	v3 =	vmul.f32 v3, v2;
	v4 =	vmul.f32 v4, v2  }
0x10f: {  	s18 =	sadd.s32 $0xFFFFFFFE, s17;
	v5 =	vmul.f32 v5, v2;
	v8 =	vmul.f32 v8, v2  }
0x110: {  	v7 =	vmul.f32 v7, v2;
	v9 =	vmul.f32 v9, v2;
	[tilespmem:s10+$0xFFFFFF70] =	vst v3;
	v3 =	vmov s18  }
0x111: {  	[tilespmem:s10+$0xFFFFFF00] =	vst v4;
	v4 =	vmul.f32 v10, v2;
	v2 =	vmul.f32 v6, v2;
	v3 =	vand.u32 $0xFFFFFFFD, v3  }
0x112: {  	[tilespmem:s10+$0xFFFFFF20] =	vst v8;
	v3 =	vbroadcast v3, $0x0  }
0x113: {  	[tilespmem:s10+$0xFFFFFF30] =	vst v7  }
0x114: {  	[tilespmem:s10+$0xFFFFFF50] =	vst v2;
	v2 =	vld [tilespmem:s10+$0xFFFFFFF0]  }
0x115: {  	[tilespmem:s10+$0xFFFFFF10] =	vst v9;
	v6 =	vld [tilespmem:s10+$0xFFFFFFD0]  }
0x116: {  	[tilespmem:s10+$0xFFFFFF60] =	vst v5;
	v5 =	vld [tilespmem:s10+$0xFFFFFFB0]  }
0x117: {  	[tilespmem:s10+$0xFFFFFF40] =	vst v4;
	v4 =	vld [tilespmem:s10+$0xFFFFFF90]  }
0x118: {  	v3 =	vld.idx.msk [tilespmem:v3+s29+$0x0], $0xffff  }
0x119: {  	v7 =	vld [tilespmem:s10+$0xFFFFFF80]  }
0x11a: {  	v8 =	vld [tilespmem:s10+$0xFFFFFFA0]  }
0x11b: {  	v9 =	vld [tilespmem:s10+$0xFFFFFFC0]  }
0x11c: {  	v10 =	vld [tilespmem:s10+$0xFFFFFFE0];
	_ =	sdelay $0x1  }
0x11d: {  	v4 =	vmul.f32 v4, v3;
	v7 =	vmul.f32 v7, v3  }
0x11e: {  	s18 =	sadd.s32 $0xFFFFFFFF, s17;
	v5 =	vmul.f32 v5, v3;
	v8 =	vmul.f32 v8, v3  }
0x11f: {  	v6 =	vmul.f32 v6, v3;
	[tilespmem:s10+$0xFFFFFF80] =	vst v7;
	v7 =	vmul.f32 v9, v3;
	v9 =	vmov s18  }
0x120: {  	v2 =	vmul.f32 v2, v3;
	[tilespmem:s10+$0xFFFFFFA0] =	vst v8;
	v8 =	vmul.f32 v10, v3;
	v3 =	vand.u32 $0xFFFFFFFE, v9  }
0x121: {  	[tilespmem:s10+$0xFFFFFF90] =	vst v4;
	v3 =	vbroadcast v3, $0x0  }
0x122: {  	[tilespmem:s10+$0xFFFFFFD0] =	vst v6  }
0x123: {  	[tilespmem:s10+$0xFFFFFFE0] =	vst v8  }
0x124: {  	[tilespmem:s10+$0xFFFFFFB0] =	vst v5  }
.Ltmp3:
0x125: {  	[tilespmem:s10+$0xFFFFFFF0] =	vst v2;
	v4 =	vld [tilespmem:s10+$0x20];
	(pc) =	sbr.rel @p0 .LBB2_5-.Ltmp3, $4  }
0x126: {  	[tilespmem:s10+$0xFFFFFFC0] =	vst v7;
	v5 =	vld [tilespmem:s10+$0x0]  }
0x127: {  	v2 =	vld.idx.msk [tilespmem:v3+s29+$0x0], $0xffff  }
0x128: {  	v3 =	vld [tilespmem:s10+$0x10]  }
0x129: {  	v6 =	vld [tilespmem:s10+$0x30]  }
0x12a: {  	_ =	sdelay $0x1  }
0x12b: {  	v5 =	vmul.f32 v5, v2  }
0x12c: {  	v7 =	vld [tilespmem:s16+$0x60];
	v4 =	vmul.f32 v4, v2  }
0x12d: {  	v8 =	vld [tilespmem:s16+$0x50];
	v0 =	vmul.f32 v0, v2;
	[tilespmem:s16+$0x0] =	vst v5  }
0x12e: {  	v1 =	vmul.f32 v1, v2;
	[tilespmem:s16+$0x20] =	vst v4  }
0x12f: {  	v53 =	vmul.f32 v3, v2;
	[tilespmem:s16+$0x40] =	vst v0  }
0x130: {  	v52 =	vmov s17;
	v6 =	vmul.f32 v6, v2;
	[tilespmem:s16+$0x70] =	vst v1  }
0x131: {  	v49 =	vmul.f32 v7, v2;
	[tilespmem:s16+$0x10] =	vst v53  }
0x132: {  	v50 =	vmul.f32 v8, v2;
	[tilespmem:s16+$0x30] =	vst v6  }
0x133: {  	[tilespmem:s16+$0x60] =	vst v49  }
0x134: {  	v51 =	vld [tilespmem:s16+$0x80];
	[tilespmem:s16+$0x50] =	vst v50  }
0x135: {  	v0 =	vld.idx.msk [tilespmem:v52+s29+$0x0], $0xffff  }
0x136: {  	v54 =	vld [tilespmem:s16+$0x90]  }
0x137: {  	v55 =	vld [tilespmem:s16+$0xA0]  }
0x138: {  	v56 =	vld [tilespmem:s16+$0xD0]  }
0x139: {  	v57 =	vld [tilespmem:s16+$0xB0]  }
0x13a: {  	v58 =	vld [tilespmem:s16+$0xC0];
	v6 =	vmul.f32 v51, v0  }
0x13b: {  	v59 =	vld [tilespmem:s16+$0xE0];
	v1 =	vmul.f32 v54, v0  }
0x13c: {  	v60 =	vld [tilespmem:s16+$0xF0];
	v2 =	vmul.f32 v55, v0;
	[tilespmem:s16+$0x80] =	vst v6  }
0x13d: {  	v3 =	vmul.f32 v56, v0;
	[tilespmem:s16+$0x90] =	vst v1  }
0x13e: {  	v61 =	vmul.f32 v57, v0;
	[tilespmem:s16+$0xA0] =	vst v2  }
0x13f: {  	v62 =	vmul.f32 v58, v0;
	[tilespmem:s16+$0xD0] =	vst v3  }
0x140: {  	v63 =	vmul.f32 v59, v0;
	[tilespmem:s16+$0xB0] =	vst v61  }
0x141: {  	v0 =	vmul.f32 v60, v0;
	[tilespmem:s16+$0xC0] =	vst v62  }
0x142: {  	p0 =	seq.s32 s9, $0x35;
	[tilespmem:s16+$0xE0] =	vst v63  }
.Ltmp4:
0x143: {  	[tilespmem:s16+$0xF0] =	vst v0;
	(pc) =	sbr.rel @p0 .LBB2_8-.Ltmp4, $4  }
0x144: {  	[spmem:s2] =	stream.indirect.scatter.add.f32 [tilespmem:s23], [sflag:$0x4], $0x80, s28, s20, $0xb8;
	[tilespmem:$0x19F00] =	vst v63  }
0x145: {  	_ =	swait.ge [sflag:s31], $0x3000  }
0x146: {  	[sflag:s31] =	ssyncset.done $0x0  }
0x147: {  	[sflag:s31] =	ssyncadd.s32 $0xFFFFD000  }
0x148: {  	s10 =	sadd.s32 s12, s14  }
0x149: {  	s10 =	sshrl.u32 s10, $0x3  }
0x14a: {  	s10 =	sadd.s32 s5, s10  }
0x14b: {  	[tilespmem:s4], [sflag:$0x5] =	stream.linear.gather [hbm4b:s10+s4], $0x60, $0x38;
	[tilespmem:$0x19F00] =	vst v63  }
0x14c: {  	_ =	swait.ge [sflag:s19], $0x60  }
0x14d: {  	[sflag:s19] =	ssyncset.done $0x0  }
0x14e: {  	[sflag:s19] =	ssyncadd.s32 $0xFFFFFFA0  }
0x14f: {  	[tilespmem:s21], [sflag:$0x1] =	stream.indirect.gather [hbm4b:s1+s20], $0x80, s4, s20, $0xb8;
	[tilespmem:$0x19F00] =	vst v63  }
0x150: {  	s18 =	sadd.s32 s12, s15;
	_ =	swait.ge [sflag:s0], $0x3000  }
0x151: {  	s10 =	sshrl.u32 s18, $0x3;
	[sflag:s0] =	ssyncset.done $0x0  }
0x152: {  	s10 =	sadd.s32 s5, s10;
	[sflag:s0] =	ssyncadd.s32 $0xFFFFD000  }
0x153: {  	[tilespmem:s22], [sflag:$0x5] =	stream.linear.gather [hbm4b:s10+s4], $0x60, $0x38;
	[tilespmem:$0x19F00] =	vst v63  }
.Ltmp5:
0x154: {  	_ = 	snop;
	(pc) =	sbr.rel .LBB2_2-.Ltmp5, $4  }
0x155: {  	_ =	swait.ge [sflag:s19], $0x60  }
0x156: {  	[sflag:s19] =	ssyncset.done $0x0  }
0x157: {  	s9 =	sadd.s32 $0x1, s9;
	[sflag:s19] =	ssyncadd.s32 $0xFFFFFFA0  }
0x158: {  	[tilespmem:s23], [sflag:$0x2] =	stream.indirect.gather [hbm4b:s1+s20], $0x80, s22, s20, $0xb8;
	[tilespmem:$0x19F00] =	vst v63  }
.LBB2_9:
0x159: {  	_ =	sfence.sel $0x180000  }
0x15a: {  	[bflag:$0x0] =	sbarrier.arrive $0xFFFF  }
0x15b: {  	_ =	strace $0x9000004A  }
0x15c: {  	s0 =	stileid.u32;
	[bflag:$0x2] =	sbarrier.arrive $0xFFFF  }
0x15d: {  	p0 =	sne.s32 s0, $0x0;
	s0 =	rddreg [dreg:$0x3]  }
0x15e: {  	s0 =	sadd.s32 @!p0 $0x100000, s0  }
0x15f: {  	[sflag:s0] =	ssyncadd.tile.s32 @!p0 $0x1;
	_ =	shalt  }
.Lfunc_end2:
_tile_overlayer_lowered:
.L_overlay_start_2:
0x160: {  	(tag) =	ssettag $0x2  }
0x161: {  	s0 =	rddreg [dreg:$0x0];
	s2 =	stileid.u32  }
0x162: {  	s1 =	rddreg [dreg:$0x1];
	p0 =	sne.s32 s2, $0x0  }
0x163: {  	s3 =	rddreg [dreg:$0x2];
	[bflag:$0x3] =	sbarrier.arrive $0xFFFF;
	s2 =	simm.s32 @!p0 $0x1C05  }
0x164: {  	[timem:s3], [sflag:s2] =	dma.local @!p0 [hbm:s0], s1  }
0x165: {  	s0 =	simm.s32 @!p0 $0x5  }
0x166: {  	_ =	swait.ge @!p0 [sflag:s0], s1  }
0x167: {  	s1 =	ssub.s32 @!p0 $0x0, s1;
	[sflag:s0] =	ssyncset.done @!p0 $0x0  }
0x168: {  	[sflag:s0] =	ssyncadd.s32 @!p0 s1  }
0x169: {  	[bflag:$0x3] =	sbarrier.arrive $0xFFFF  }
0x16a: {  	_ =	shalt  }

</sc_bundles>
